<compile_context>
chip_gen: v7x
topology: tpu7x:2x2x1
jax: 0.10.2.dev20260603
libtpu: 0.0.44.dev20260713+nightly
codegen_flags: <defaults>
</compile_context>

<pallas_src>
import functools
import math

import jax
import jax.numpy as jnp
import numpy as np
from jax import lax
from jax.experimental import pallas as pl
from jax.experimental.pallas import tpu as pltpu
from jax.experimental.pallas import tpu_sc as plsc

K = 20
M = 20
GROUP = 4
IN_CX = 32
BLK1 = 128
BLK3 = 128


def _knn_body(q_ref, k_ref, idx_ref, xnx_ref, xny_ref, xnz_ref, mn_ref, mx_ref):
    b = pl.program_id(0)
    n_total = k_ref.shape[1]
    q = q_ref[0]
    kk = k_ref[0]
    inner = -2.0 * lax.dot_general(q, kk, (((1,), (1,)), ((), ())),
                                   preferred_element_type=jnp.float32)
    sqq = jnp.sum(q * q, axis=1, keepdims=True)
    sqk = jnp.sum(kk * kk, axis=1)[None, :]
    vals = -sqq - inner - sqk
    iota = lax.broadcasted_iota(jnp.int32, vals.shape, 1)
    idx_cols = []
    xs_cols, ys_cols, zs_cols = [], [], []
    for _ in range(K):
        m = jnp.max(vals, axis=1, keepdims=True)
        sel = vals == m
        it = jnp.min(jnp.where(sel, iota, jnp.int32(2 ** 30)), axis=1,
                     keepdims=True)
        oh = (iota == it).astype(jnp.float32)
        xsel = lax.dot_general(oh, kk, (((1,), (0,)), ((), ())),
                               precision=lax.Precision.HIGHEST,
                               preferred_element_type=jnp.float32)
        vals = jnp.where(iota == it, -jnp.inf, vals)
        idx_cols.append(it)
        xs_cols.append(xsel[:, 0:1])
        ys_cols.append(xsel[:, 1:2])
        zs_cols.append(xsel[:, 2:3])
    idx = jnp.concatenate(idx_cols, axis=1)
    xnx = jnp.concatenate(xs_cols, axis=1)
    xny = jnp.concatenate(ys_cols, axis=1)
    xnz = jnp.concatenate(zs_cols, axis=1)
    idx_ref[0] = idx + b * n_total
    xnx_ref[0] = xnx
    xny_ref[0] = xny
    xnz_ref[0] = xnz
    relx = xnx - xnx[:, 0:1]
    rely = xny - xny[:, 0:1]
    relz = xnz - xnz[:, 0:1]
    dis = jnp.sqrt(relx * relx + rely * rely + relz * relz)
    mn = jnp.minimum(
        jnp.minimum(jnp.minimum(jnp.min(xnx[:, 0:1]), jnp.min(xny[:, 0:1])),
                    jnp.minimum(jnp.min(xnz[:, 0:1]), jnp.min(relx))),
        jnp.minimum(jnp.minimum(jnp.min(rely), jnp.min(relz)), jnp.min(dis)))
    mx = jnp.maximum(
        jnp.maximum(jnp.maximum(jnp.max(xnx[:, 0:1]), jnp.max(xny[:, 0:1])),
                    jnp.maximum(jnp.max(xnz[:, 0:1]), jnp.max(relx))),
        jnp.maximum(jnp.maximum(jnp.max(rely), jnp.max(relz)), jnp.max(dis)))
    mn_ref[0, 0] = jnp.full((1, 128), mn, jnp.float32)
    mx_ref[0, 0] = jnp.full((1, 128), mx, jnp.float32)


def _sc_gather(table, idx2d, n_rows):
    info = plsc.get_sparse_core_info()
    nw = info.num_cores * info.num_subcores
    nc = info.num_cores
    t_rows = n_rows
    per_w = t_rows // nw
    chunk = 512
    outer = per_w // chunk
    d = table.shape[1]

    @functools.partial(
        pl.kernel,
        mesh=plsc.VectorSubcoreMesh(core_axis_name="c", subcore_axis_name="s"),
        out_type=jax.ShapeDtypeStruct((t_rows, d), jnp.float32),
        scratch_types=[
            pltpu.VMEM((chunk // 128, 128), jnp.int32),
            pltpu.VMEM((chunk, d), jnp.float32),
            pltpu.SemaphoreType.DMA,
        ],
    )
    def gather_k(tab_hbm, idx_hbm, out_hbm, idx_v, rows_v, sem):
        wid = lax.axis_index("s") * nc + lax.axis_index("c")
        row_base = wid * per_w
        irow_base = wid * (per_w // 128)

        def body(j, carry):
            st = row_base + j * chunk
            pltpu.sync_copy(
                idx_hbm.at[pl.ds(irow_base + j * (chunk // 128), chunk // 128)],
                idx_v)
            cps = []
            for ii in range(chunk // 128):
                cps.append(pltpu.async_copy(
                    tab_hbm.at[idx_v.at[ii]],
                    rows_v.at[pl.ds(ii * 128, 128)], sem))
            for cp in cps:
                cp.wait()
            pltpu.sync_copy(rows_v, out_hbm.at[pl.ds(st, chunk)])
            return carry

        lax.fori_loop(0, outer, body, 0)

    return gather_k(table, idx2d)


def _dense_body(g_ref, xnx_ref, xny_ref, xnz_ref, f_ref, s_ref,
                bmap_ref, q_ref, pad_ref, mlpw_ref, mlpb_ref, w2b_ref,
                w2d_ref, c1b_ref, mow_ref, res_ref):
    blk = xnx_ref.shape[1]
    nfeat = f_ref.shape[1]
    fg = g_ref[0][:, :, :nfeat]
    f0 = fg[:, 0, :]
    xnx, xny, xnz = xnx_ref[0], xny_ref[0], xnz_ref[0]
    relx = xnx - xnx[:, 0:1]
    rely = xny - xny[:, 0:1]
    relz = xnz - xnz[:, 0:1]
    dis = jnp.sqrt(relx * relx + rely * rely + relz * relz)
    sval = s_ref[0, 0]
    two_pi = 2.0 * math.pi

    def enc(comp):
        return two_pi * (comp - sval)

    comps = [enc(jnp.broadcast_to(xnx[:, 0:1], (blk, K))),
             enc(jnp.broadcast_to(xny[:, 0:1], (blk, K))),
             enc(jnp.broadcast_to(xnz[:, 0:1], (blk, K))),
             enc(relx), enc(rely), enc(relz), enc(dis)]
    x7 = jnp.concatenate([cmp_[:, :, None] for cmp_ in comps],
                         axis=2).reshape(blk * K, 7)
    xe2 = lax.dot_general(x7, bmap_ref[...], (((1,), (0,)), ((), ())),
                          preferred_element_type=jnp.float32)
    e_sc = jnp.concatenate([jnp.sin(xe2), jnp.cos(xe2)], axis=1)
    xf2 = (lax.dot_general(e_sc, mlpw_ref[...], (((1,), (1,)), ((), ())),
                           preferred_element_type=jnp.float32)
           + mlpb_ref[0][None, :])
    fg2 = fg.reshape(blk * K, fg.shape[2])
    f2 = jnp.concatenate([fg2, xf2], axis=1)
    xf3 = xf2.reshape(blk, K, IN_CX)
    f0full = jnp.concatenate([f0, xf3[:, 0, :]], axis=1)
    g2 = lax.dot_general(f2, w2b_ref[...], (((1,), (1,)), ((), ())),
                         preferred_element_type=jnp.float32)
    h = lax.dot_general(f0full, w2d_ref[...], (((1,), (1,)), ((), ())),
                        preferred_element_type=jnp.float32)
    g3 = g2.reshape(blk, K, g2.shape[1]) + h[:, None, :]
    xr3 = jnp.concatenate([relx[:, :, None], rely[:, :, None],
                           relz[:, :, None]], axis=2).reshape(blk * K, 3)
    perm = lax.dot_general(xr3, q_ref[...], (((1,), (0,)), ((), ())),
                           preferred_element_type=jnp.float32)
    perm = perm.reshape(blk, K, M) + pad_ref[...][None]
    pmax = jnp.max(perm, axis=1, keepdims=True)
    pe = jnp.exp(perm - pmax)
    p = pe / jnp.sum(pe, axis=1, keepdims=True)
    p = jnp.where(p > 0.1, p, 0.0)
    pn = p / (jnp.sum(p, axis=1, keepdims=True) + 1e-6)
    g3t = g3.astype(jnp.bfloat16).astype(jnp.float32)
    pnt = pn.astype(jnp.bfloat16).astype(jnp.float32)
    acc = jnp.full((blk, g2.shape[1]), -jnp.inf, jnp.float32)
    for m in range(M):
        acc = jnp.maximum(acc, jnp.sum(g3t * pnt[:, :, m:m + 1], axis=1))
    out = acc + c1b_ref[0][None, :]
    out = 0.5 * out * (1.0 + lax.erf(out / math.sqrt(2.0)))
    fb = f_ref[0]
    r = lax.dot_general(mow_ref[...], fb, (((1,), (0,)), ((), ())),
                        preferred_element_type=jnp.float32)
    res_ref[0] = out.T + r


def _bn_body(res_ref, g_ref, b_ref, out_ref):
    res = res_ref[...]
    mean = jnp.mean(res, axis=(0, 2), keepdims=True)
    var = jnp.mean((res - mean) * (res - mean), axis=(0, 2), keepdims=True)
    gam = g_ref[0][None, :, None]
    bet = b_ref[0][None, :, None]
    out_ref[...] = (res - mean) / jnp.sqrt(var + 1e-5) * gam + bet


def kernel(x, feature, A, Bmap, kernels, one_padding, mlp_w, mlp_b, conv1_w,
           conv1_b, bn_gamma, bn_beta, mlp_out_w):
    b, c, n = feature.shape
    nb1 = n // BLK1
    xp = jnp.transpose(x, (0, 2, 1))

    idxg, xnx, xny, xnz, mns, mxs = pl.pallas_call(
        _knn_body,
        grid=(b, nb1),
        in_specs=[
            pl.BlockSpec((1, BLK1, 3), lambda i, j: (i, j, 0)),
            pl.BlockSpec((1, n, 3), lambda i, j: (i, 0, 0)),
        ],
        out_specs=[
            pl.BlockSpec((1, BLK1, K), lambda i, j: (i, j, 0)),
            pl.BlockSpec((1, BLK1, K), lambda i, j: (i, j, 0)),
            pl.BlockSpec((1, BLK1, K), lambda i, j: (i, j, 0)),
            pl.BlockSpec((1, BLK1, K), lambda i, j: (i, j, 0)),
            pl.BlockSpec((1, 1, 1, 128), lambda i, j: (i, j, 0, 0)),
            pl.BlockSpec((1, 1, 1, 128), lambda i, j: (i, j, 0, 0)),
        ],
        out_shape=[
            jax.ShapeDtypeStruct((b, n, K), jnp.int32),
            jax.ShapeDtypeStruct((b, n, K), jnp.float32),
            jax.ShapeDtypeStruct((b, n, K), jnp.float32),
            jax.ShapeDtypeStruct((b, n, K), jnp.float32),
            jax.ShapeDtypeStruct((b, nb1, 1, 128), jnp.float32),
            jax.ShapeDtypeStruct((b, nb1, 1, 128), jnp.float32),
        ],
    )(xp, xp)

    mn = jnp.min(mns)
    mx = jnp.max(mxs)
    s = (mn / (mx - mn)).reshape(1, 1)

    table = jnp.transpose(feature, (0, 2, 1)).reshape(b * n, c)
    table = jnp.concatenate([table, jnp.zeros_like(table)], axis=1)
    idx2d = idxg.reshape(b * n * K // 128, 128)
    gathered = _sc_gather(table, idx2d, b * n * K)
    g4 = gathered.reshape(b, n, K, 2 * c)

    nf = (c + IN_CX) * 2
    gsz = nf // GROUP
    inv = np.array([(j % gsz) * GROUP + j // gsz for j in range(nf)])
    w2 = conv1_w[:, inv]
    w2a, w2b = w2[:, :nf // 2], w2[:, nf // 2:]
    w2d = w2a - w2b
    q_mat = ((A + A.T) / 2.0) @ kernels

    nb3 = n // BLK3
    res = pl.pallas_call(
        _dense_body,
        grid=(b, nb3),
        in_specs=[
            pl.BlockSpec((1, BLK3, K, 2 * c), lambda i, j: (i, j, 0, 0)),
            pl.BlockSpec((1, BLK3, K), lambda i, j: (i, j, 0)),
            pl.BlockSpec((1, BLK3, K), lambda i, j: (i, j, 0)),
            pl.BlockSpec((1, BLK3, K), lambda i, j: (i, j, 0)),
            pl.BlockSpec((1, c, BLK3), lambda i, j: (i, 0, j)),
            pl.BlockSpec((1, 1), lambda i, j: (0, 0)),
            pl.BlockSpec(Bmap.shape, lambda i, j: (0, 0)),
            pl.BlockSpec((3, M), lambda i, j: (0, 0)),
            pl.BlockSpec((K, M), lambda i, j: (0, 0)),
            pl.BlockSpec(mlp_w.shape, lambda i, j: (0, 0)),
            pl.BlockSpec((1, IN_CX), lambda i, j: (0, 0)),
            pl.BlockSpec((c, nf // 2), lambda i, j: (0, 0)),
            pl.BlockSpec((c, nf // 2), lambda i, j: (0, 0)),
            pl.BlockSpec((1, c), lambda i, j: (0, 0)),
            pl.BlockSpec((c, c), lambda i, j: (0, 0)),
        ],
        out_specs=pl.BlockSpec((1, c, BLK3), lambda i, j: (i, 0, j)),
        out_shape=jax.ShapeDtypeStruct((b, c, n), jnp.float32),
    )(g4, xnx, xny, xnz, feature, s, Bmap, q_mat, one_padding, mlp_w,
      mlp_b.reshape(1, IN_CX), w2b, w2d, conv1_b.reshape(1, c), mlp_out_w)

    out = pl.pallas_call(
        _bn_body,
        grid=(1,),
        in_specs=[
            pl.BlockSpec((b, c, n), lambda i: (0, 0, 0)),
            pl.BlockSpec((1, c), lambda i: (0, 0)),
            pl.BlockSpec((1, c), lambda i: (0, 0)),
        ],
        out_specs=pl.BlockSpec((b, c, n), lambda i: (0, 0, 0)),
        out_shape=jax.ShapeDtypeStruct((b, c, n), jnp.float32),
    )(res, bn_gamma.reshape(1, c), bn_beta.reshape(1, c))
    return out

# --- scband reference (transcript-rebuilt; emitter-appended) ---
"""Pipeline reference for scband-pai-conv-35064113005153 (READ-ONLY COPY).

The authoritative reference and input builder live on the scoring server;
editing this copy changes nothing except your own understanding.
"""

import jax, jax.numpy as jnp
import numpy as np
import math

BSIZE = 8
NPTS = 2048
IN_C = 64
OUT_C = 64
K = 20
M = 20
MAP = 32
GROUP = 4
IN_CX = 32

def knn_idx(pts, k):
    inner = -2.0 * jnp.matmul(pts, jnp.swapaxes(pts, 1, 2))
    sq = jnp.sum(pts * pts, axis=-1)
    neg_dist = -sq[:, :, None] - inner - sq[:, None, :]
    return jax.lax.top_k(neg_dist, k)[1]

def topkmax(p):
    p = jax.nn.softmax(p, axis=1)
    return jnp.where(p > 0.1, p, 0.0)

def setup_inputs(seed: int = 0):
    key = jax.random.key(seed)
    ks = jax.random.split(key, 10)
    x = jax.random.normal(ks[0], (BSIZE, 3, NPTS), dtype=jnp.float32)
    feature = jax.random.normal(ks[1], (BSIZE, IN_C, NPTS), dtype=jnp.float32)
    stdv = 1.0 / math.sqrt(9.0)
    A = jax.random.uniform(ks[2], (3, 3), jnp.float32, -stdv, stdv) + 2.0 * jnp.eye(3, dtype=jnp.float32)
    Bmap = jax.random.normal(ks[3], (7, MAP), dtype=jnp.float32)
    kernels = jax.random.normal(ks[4], (3, M), dtype=jnp.float32)
    kernels = kernels / (jnp.linalg.norm(kernels, axis=0, keepdims=True) + 1e-8)
    one_padding = jnp.zeros((K, M), jnp.float32).at[0, 0].set(1.0)
    mlp_w = jax.random.normal(ks[5], (IN_CX, 2 * MAP), dtype=jnp.float32) * 0.05
    mlp_b = jnp.zeros((IN_CX,), jnp.float32)
    conv1_w = jax.random.normal(ks[6], (OUT_C, (IN_C + IN_CX) * 2), dtype=jnp.float32) * 0.05
    conv1_b = jnp.zeros((OUT_C,), jnp.float32)
    bn_gamma = jnp.ones((OUT_C,), jnp.float32)
    bn_beta = jnp.zeros((OUT_C,), jnp.float32)
    mlp_out_w = jax.random.normal(ks[7], (OUT_C, IN_C), dtype=jnp.float32) * 0.05
    return {"x": x, "feature": feature, "A": A, "Bmap": Bmap, "kernels": kernels, "one_padding": one_padding, "mlp_w": mlp_w, "mlp_b": mlp_b, "conv1_w": conv1_w, "conv1_b": conv1_b, "bn_gamma": bn_gamma, "bn_beta": bn_beta, "mlp_out_w": mlp_out_w}

def reference(x, feature, A, Bmap, kernels, one_padding, mlp_w, mlp_b, conv1_w, conv1_b, bn_gamma, bn_beta, mlp_out_w):
    bsize, num_feat, num_pts = feature.shape
    xp = jnp.transpose(x, (0, 2, 1))
    neigh = knn_idx(xp, K)
    xf = xp.reshape(bsize * num_pts, 3)
    idx_base = jnp.arange(bsize).reshape(-1, 1, 1) * num_pts
    neigh = (neigh + idx_base).reshape(-1)
    x_neighs = xf[neigh].reshape(bsize * num_pts, K, 3)
    x_repeat = jnp.broadcast_to(x_neighs[:, 0:1, :], x_neighs.shape)
    x_rel = x_neighs - x_repeat
    x_dis = jnp.linalg.norm(x_rel, axis=-1, keepdims=True)
    x_feats = jnp.concatenate([x_repeat, x_rel, x_dis], axis=-1)
    x_feats = 2.0 * math.pi * (x_feats - x_feats.min() / (x_feats.max() - x_feats.min()))
    x_feats = x_feats @ Bmap
    x_feats = jnp.concatenate([jnp.sin(x_feats), jnp.cos(x_feats)], axis=-1)
    x_feats = jnp.einsum('oc,nkc->nok', mlp_w, x_feats) + mlp_b[None, :, None]
    perm = jnp.matmul(x_rel, ((A + A.T) / 2.0) @ kernels) + one_padding
    perm = topkmax(perm)
    feats = jnp.transpose(feature, (0, 2, 1)).reshape(bsize * num_pts, num_feat)
    feats = feats[neigh].reshape(bsize * num_pts, K, num_feat)
    feats = jnp.transpose(feats, (0, 2, 1))
    feats = jnp.concatenate([feats, x_feats], axis=1)
    f_rep = jnp.broadcast_to(feats[:, :, 0:1], feats.shape)
    f_rel = feats - f_rep
    feats = jnp.concatenate([f_rep, f_rel], axis=1)
    nf = (num_feat + IN_CX) * 2
    if nf > 3 + IN_CX:
        feats = feats.reshape(bsize * num_pts, GROUP, nf // GROUP, -1)
        feats = jnp.transpose(feats, (0, 2, 1, 3)).reshape(bsize * num_pts, nf, -1)
    feats = jnp.matmul(feats, perm / (jnp.sum(perm, axis=1, keepdims=True) + 1e-6))
    feats = feats.reshape(bsize, num_pts, nf, M)
    feats = jnp.transpose(feats, (0, 2, 1, 3))
    out = jnp.einsum('oc,bcnm->bonm', conv1_w, feats) + conv1_b[None, :, None, None]
    out = jax.nn.gelu(jnp.max(out, axis=-1), approximate=False)
    res = out + jnp.einsum('oc,bcn->bon', mlp_out_w, feature)
    mean = jnp.mean(res, axis=(0, 2), keepdims=True)
    var = jnp.var(res, axis=(0, 2), keepdims=True)
    return (res - mean) / jnp.sqrt(var + 1e-5) * bn_gamma[None, :, None] + bn_beta[None, :, None]

if __name__ == "__main__":
    import jax
    _d = setup_inputs()
    print(jax.jit(kernel)(*tuple(_d.values())))

</pallas_src>

<mosaic_0001>
#map = affine_map<(d0, d1) -> (0, 0)>
module attributes {stable_mosaic.version = 14 : i64} {
  func.func @gather_k(%arg0: i32, %arg1: i32, %arg2: memref<16384x128xf32, #tpu.memory_space<hbm>>, %arg3: memref<2560x128xi32, #tpu.memory_space<hbm>>, %arg4: memref<327680x128xf32, #tpu.memory_space<hbm>>, %arg5: memref<4x128xi32, #tpu.memory_space<vmem>>, %arg6: memref<512x128xf32, #tpu.memory_space<vmem>>, %arg7: memref<!tpu.dma_semaphore, #tpu.memory_space<semaphore_mem>>) attributes {dimension_semantics = [#tpu.dimension_semantics<core_parallel>, #tpu.dimension_semantics<subcore_parallel>], iteration_bounds = array<i64: 2, 16>, scalar_prefetch = 0 : i64, scratch_operands = 3 : i64, tpu.core_type = #tpu.core_type<sc_vector_subcore>, window_params = [{transform_indices = #map}, {transform_indices = #map}, {transform_indices = #map}]} {
    %mul3A = arith.constant 2 : i32
    %mul3A_0 = arith.muli %arg1, %mul3A : i32
    %add3A = arith.addi %mul3A_0, %arg0 : i32
    %mul3A_1 = arith.constant 10240 : i32
    %mul3A_2 = arith.muli %add3A, %mul3A_1 : i32
    %mul3A_3 = arith.constant 80 : i32
    %mul3A_4 = arith.muli %add3A, %mul3A_3 : i32
    %scan3A = arith.constant 0 : i32
    %scan3A_5 = arith.constant 0 : i32
    %scan3A_6 = arith.constant 20 : i32
    %scan3A_7 = arith.addi %scan3A_5, %scan3A_6 : i32
    %scan3A_8 = arith.constant 1 : i32
    scf.for %scan3A_10 = %scan3A_5 to %scan3A_7 step %scan3A_8  : i32 {
      %mul3A_11 = arith.constant 512 : i32
      %mul3A_12 = arith.muli %scan3A_10, %mul3A_11 : i32
      %add3A_13 = arith.addi %mul3A_2, %mul3A_12 : i32
      %mul3A_14 = arith.constant 4 : i32
      %mul3A_15 = arith.muli %scan3A_10, %mul3A_14 : i32
      %add3A_16 = arith.addi %mul3A_4, %mul3A_15 : i32
      "tpu.region"() ({
        %run_scoped3A = tpu.sem_alloc : memref<!tpu.dma_semaphore, #tpu.memory_space<semaphore_mem>>
        %dma_start3A_95 = arith.constant 0 : i32
        %dma_start3A_96 = tpu.memref_slice %arg3[%add3A_16, %dma_start3A_95] : memref<2560x128xi32, #tpu.memory_space<hbm>> -> memref<4x128xi32, #tpu.memory_space<hbm>>
        %dma_start3A_97 = arith.constant 0 : i32
        %dma_start3A_98 = tpu.memref_slice %arg3[%add3A_16, %dma_start3A_97] : memref<2560x128xi32, #tpu.memory_space<hbm>> -> memref<4x128xi32, #tpu.memory_space<hbm>>
        tpu.enqueue_dma source(%dma_start3A_98 : memref<4x128xi32, #tpu.memory_space<hbm>>) target(%arg5 : memref<4x128xi32, #tpu.memory_space<vmem>>) target_semaphore(%run_scoped3A : memref<!tpu.dma_semaphore, #tpu.memory_space<semaphore_mem>>)
        %dma_wait3A_99 = arith.constant 0 : i32
        %dma_wait3A_100 = tpu.memref_slice %arg3[%add3A_16, %dma_wait3A_99] : memref<2560x128xi32, #tpu.memory_space<hbm>> -> memref<4x128xi32, #tpu.memory_space<hbm>>
        %dma_wait3A_101 = arith.constant 0 : i32
        %dma_wait3A_102 = tpu.memref_slice %arg3[%add3A_16, %dma_wait3A_101] : memref<2560x128xi32, #tpu.memory_space<hbm>> -> memref<4x128xi32, #tpu.memory_space<hbm>>
        tpu.wait_dma2 semaphore(%run_scoped3A : memref<!tpu.dma_semaphore, #tpu.memory_space<semaphore_mem>>) src(%dma_wait3A_102 : memref<4x128xi32, #tpu.memory_space<hbm>>) dst(%arg5 : memref<4x128xi32, #tpu.memory_space<vmem>>)
        tpu.yield
      }) : () -> ()
      %dma_start3A = arith.constant 0 : i32
      %dma_start3A_17 = arith.constant 0 : i32
      %dma_start3A_18 = arith.constant 0 : i32
      %dma_start3A_19 = tpu.memref_slice %arg6[%dma_start3A_17, %dma_start3A_18] : memref<512x128xf32, #tpu.memory_space<vmem>> -> memref<128x128xf32, #tpu.memory_space<vmem>>
      %dma_start3A_20 = arith.constant 0 : i32
      %dma_start3A_21 = tpu.memref_slice %arg5[%dma_start3A, %dma_start3A_20] : memref<4x128xi32, #tpu.memory_space<vmem>> -> memref<1x128xi32, #tpu.memory_space<vmem>>
      %dma_start3A_22 = tpu.memref_squeeze %dma_start3A_21 : memref<1x128xi32, #tpu.memory_space<vmem>> -> memref<128xi32, #tpu.memory_space<vmem>>
      %dma_start3A_23 = arith.constant 0 : i32
      %dma_start3A_24 = arith.constant 0 : i32
      %dma_start3A_25 = tpu.memref_slice %arg2[%dma_start3A_23, %dma_start3A_24] : memref<16384x128xf32, #tpu.memory_space<hbm>> -> memref<16384x128xf32, #tpu.memory_space<hbm>>
      tpu.enqueue_indirect_dma source(%dma_start3A_25 : memref<16384x128xf32, #tpu.memory_space<hbm>>) target(%dma_start3A_19 : memref<128x128xf32, #tpu.memory_space<vmem>>) offsets(%dma_start3A_22 : memref<128xi32, #tpu.memory_space<vmem>>) semaphore(%arg7 : memref<!tpu.dma_semaphore, #tpu.memory_space<semaphore_mem>>)
      %dma_start3A_26 = arith.constant 1 : i32
      %dma_start3A_27 = arith.constant 128 : i32
      %dma_start3A_28 = arith.constant 0 : i32
      %dma_start3A_29 = tpu.memref_slice %arg6[%dma_start3A_27, %dma_start3A_28] : memref<512x128xf32, #tpu.memory_space<vmem>> -> memref<128x128xf32, #tpu.memory_space<vmem>>
      %dma_start3A_30 = arith.constant 0 : i32
      %dma_start3A_31 = tpu.memref_slice %arg5[%dma_start3A_26, %dma_start3A_30] : memref<4x128xi32, #tpu.memory_space<vmem>> -> memref<1x128xi32, #tpu.memory_space<vmem>>
      %dma_start3A_32 = tpu.memref_squeeze %dma_start3A_31 : memref<1x128xi32, #tpu.memory_space<vmem>> -> memref<128xi32, #tpu.memory_space<vmem>>
      %dma_start3A_33 = arith.constant 0 : i32
      %dma_start3A_34 = arith.constant 0 : i32
      %dma_start3A_35 = tpu.memref_slice %arg2[%dma_start3A_33, %dma_start3A_34] : memref<16384x128xf32, #tpu.memory_space<hbm>> -> memref<16384x128xf32, #tpu.memory_space<hbm>>
      tpu.enqueue_indirect_dma source(%dma_start3A_35 : memref<16384x128xf32, #tpu.memory_space<hbm>>) target(%dma_start3A_29 : memref<128x128xf32, #tpu.memory_space<vmem>>) offsets(%dma_start3A_32 : memref<128xi32, #tpu.memory_space<vmem>>) semaphore(%arg7 : memref<!tpu.dma_semaphore, #tpu.memory_space<semaphore_mem>>)
      %dma_start3A_36 = arith.constant 2 : i32
      %dma_start3A_37 = arith.constant 256 : i32
      %dma_start3A_38 = arith.constant 0 : i32
      %dma_start3A_39 = tpu.memref_slice %arg6[%dma_start3A_37, %dma_start3A_38] : memref<512x128xf32, #tpu.memory_space<vmem>> -> memref<128x128xf32, #tpu.memory_space<vmem>>
      %dma_start3A_40 = arith.constant 0 : i32
      %dma_start3A_41 = tpu.memref_slice %arg5[%dma_start3A_36, %dma_start3A_40] : memref<4x128xi32, #tpu.memory_space<vmem>> -> memref<1x128xi32, #tpu.memory_space<vmem>>
      %dma_start3A_42 = tpu.memref_squeeze %dma_start3A_41 : memref<1x128xi32, #tpu.memory_space<vmem>> -> memref<128xi32, #tpu.memory_space<vmem>>
      %dma_start3A_43 = arith.constant 0 : i32
      %dma_start3A_44 = arith.constant 0 : i32
      %dma_start3A_45 = tpu.memref_slice %arg2[%dma_start3A_43, %dma_start3A_44] : memref<16384x128xf32, #tpu.memory_space<hbm>> -> memref<16384x128xf32, #tpu.memory_space<hbm>>
      tpu.enqueue_indirect_dma source(%dma_start3A_45 : memref<16384x128xf32, #tpu.memory_space<hbm>>) target(%dma_start3A_39 : memref<128x128xf32, #tpu.memory_space<vmem>>) offsets(%dma_start3A_42 : memref<128xi32, #tpu.memory_space<vmem>>) semaphore(%arg7 : memref<!tpu.dma_semaphore, #tpu.memory_space<semaphore_mem>>)
      %dma_start3A_46 = arith.constant 3 : i32
      %dma_start3A_47 = arith.constant 384 : i32
      %dma_start3A_48 = arith.constant 0 : i32
      %dma_start3A_49 = tpu.memref_slice %arg6[%dma_start3A_47, %dma_start3A_48] : memref<512x128xf32, #tpu.memory_space<vmem>> -> memref<128x128xf32, #tpu.memory_space<vmem>>
      %dma_start3A_50 = arith.constant 0 : i32
      %dma_start3A_51 = tpu.memref_slice %arg5[%dma_start3A_46, %dma_start3A_50] : memref<4x128xi32, #tpu.memory_space<vmem>> -> memref<1x128xi32, #tpu.memory_space<vmem>>
      %dma_start3A_52 = tpu.memref_squeeze %dma_start3A_51 : memref<1x128xi32, #tpu.memory_space<vmem>> -> memref<128xi32, #tpu.memory_space<vmem>>
      %dma_start3A_53 = arith.constant 0 : i32
      %dma_start3A_54 = arith.constant 0 : i32
      %dma_start3A_55 = tpu.memref_slice %arg2[%dma_start3A_53, %dma_start3A_54] : memref<16384x128xf32, #tpu.memory_space<hbm>> -> memref<16384x128xf32, #tpu.memory_space<hbm>>
      tpu.enqueue_indirect_dma source(%dma_start3A_55 : memref<16384x128xf32, #tpu.memory_space<hbm>>) target(%dma_start3A_49 : memref<128x128xf32, #tpu.memory_space<vmem>>) offsets(%dma_start3A_52 : memref<128xi32, #tpu.memory_space<vmem>>) semaphore(%arg7 : memref<!tpu.dma_semaphore, #tpu.memory_space<semaphore_mem>>)
      %dma_wait3A = arith.constant 0 : i32
      %dma_wait3A_56 = arith.constant 0 : i32
      %dma_wait3A_57 = arith.constant 0 : i32
      %dma_wait3A_58 = tpu.memref_slice %arg6[%dma_wait3A_56, %dma_wait3A_57] : memref<512x128xf32, #tpu.memory_space<vmem>> -> memref<128x128xf32, #tpu.memory_space<vmem>>
      %dma_wait3A_59 = arith.constant 0 : i32
      %dma_wait3A_60 = tpu.memref_slice %arg5[%dma_wait3A, %dma_wait3A_59] : memref<4x128xi32, #tpu.memory_space<vmem>> -> memref<1x128xi32, #tpu.memory_space<vmem>>
      %dma_wait3A_61 = tpu.memref_squeeze %dma_wait3A_60 : memref<1x128xi32, #tpu.memory_space<vmem>> -> memref<128xi32, #tpu.memory_space<vmem>>
      %dma_wait3A_62 = arith.constant 0 : i32
      %dma_wait3A_63 = arith.constant 0 : i32
      %dma_wait3A_64 = tpu.memref_slice %arg2[%dma_wait3A_62, %dma_wait3A_63] : memref<16384x128xf32, #tpu.memory_space<hbm>> -> memref<16384x128xf32, #tpu.memory_space<hbm>>
      tpu.wait_indirect_dma semaphore(%arg7 : memref<!tpu.dma_semaphore, #tpu.memory_space<semaphore_mem>>) src(%dma_wait3A_64 : memref<16384x128xf32, #tpu.memory_space<hbm>>) dst(%dma_wait3A_58 : memref<128x128xf32, #tpu.memory_space<vmem>>)
      %dma_wait3A_65 = arith.constant 1 : i32
      %dma_wait3A_66 = arith.constant 128 : i32
      %dma_wait3A_67 = arith.constant 0 : i32
      %dma_wait3A_68 = tpu.memref_slice %arg6[%dma_wait3A_66, %dma_wait3A_67] : memref<512x128xf32, #tpu.memory_space<vmem>> -> memref<128x128xf32, #tpu.memory_space<vmem>>
      %dma_wait3A_69 = arith.constant 0 : i32
      %dma_wait3A_70 = tpu.memref_slice %arg5[%dma_wait3A_65, %dma_wait3A_69] : memref<4x128xi32, #tpu.memory_space<vmem>> -> memref<1x128xi32, #tpu.memory_space<vmem>>
      %dma_wait3A_71 = tpu.memref_squeeze %dma_wait3A_70 : memref<1x128xi32, #tpu.memory_space<vmem>> -> memref<128xi32, #tpu.memory_space<vmem>>
      %dma_wait3A_72 = arith.constant 0 : i32
      %dma_wait3A_73 = arith.constant 0 : i32
      %dma_wait3A_74 = tpu.memref_slice %arg2[%dma_wait3A_72, %dma_wait3A_73] : memref<16384x128xf32, #tpu.memory_space<hbm>> -> memref<16384x128xf32, #tpu.memory_space<hbm>>
      tpu.wait_indirect_dma semaphore(%arg7 : memref<!tpu.dma_semaphore, #tpu.memory_space<semaphore_mem>>) src(%dma_wait3A_74 : memref<16384x128xf32, #tpu.memory_space<hbm>>) dst(%dma_wait3A_68 : memref<128x128xf32, #tpu.memory_space<vmem>>)
      %dma_wait3A_75 = arith.constant 2 : i32
      %dma_wait3A_76 = arith.constant 256 : i32
      %dma_wait3A_77 = arith.constant 0 : i32
      %dma_wait3A_78 = tpu.memref_slice %arg6[%dma_wait3A_76, %dma_wait3A_77] : memref<512x128xf32, #tpu.memory_space<vmem>> -> memref<128x128xf32, #tpu.memory_space<vmem>>
      %dma_wait3A_79 = arith.constant 0 : i32
      %dma_wait3A_80 = tpu.memref_slice %arg5[%dma_wait3A_75, %dma_wait3A_79] : memref<4x128xi32, #tpu.memory_space<vmem>> -> memref<1x128xi32, #tpu.memory_space<vmem>>
      %dma_wait3A_81 = tpu.memref_squeeze %dma_wait3A_80 : memref<1x128xi32, #tpu.memory_space<vmem>> -> memref<128xi32, #tpu.memory_space<vmem>>
      %dma_wait3A_82 = arith.constant 0 : i32
      %dma_wait3A_83 = arith.constant 0 : i32
      %dma_wait3A_84 = tpu.memref_slice %arg2[%dma_wait3A_82, %dma_wait3A_83] : memref<16384x128xf32, #tpu.memory_space<hbm>> -> memref<16384x128xf32, #tpu.memory_space<hbm>>
      tpu.wait_indirect_dma semaphore(%arg7 : memref<!tpu.dma_semaphore, #tpu.memory_space<semaphore_mem>>) src(%dma_wait3A_84 : memref<16384x128xf32, #tpu.memory_space<hbm>>) dst(%dma_wait3A_78 : memref<128x128xf32, #tpu.memory_space<vmem>>)
      %dma_wait3A_85 = arith.constant 3 : i32
      %dma_wait3A_86 = arith.constant 384 : i32
      %dma_wait3A_87 = arith.constant 0 : i32
      %dma_wait3A_88 = tpu.memref_slice %arg6[%dma_wait3A_86, %dma_wait3A_87] : memref<512x128xf32, #tpu.memory_space<vmem>> -> memref<128x128xf32, #tpu.memory_space<vmem>>
      %dma_wait3A_89 = arith.constant 0 : i32
      %dma_wait3A_90 = tpu.memref_slice %arg5[%dma_wait3A_85, %dma_wait3A_89] : memref<4x128xi32, #tpu.memory_space<vmem>> -> memref<1x128xi32, #tpu.memory_space<vmem>>
      %dma_wait3A_91 = tpu.memref_squeeze %dma_wait3A_90 : memref<1x128xi32, #tpu.memory_space<vmem>> -> memref<128xi32, #tpu.memory_space<vmem>>
      %dma_wait3A_92 = arith.constant 0 : i32
      %dma_wait3A_93 = arith.constant 0 : i32
      %dma_wait3A_94 = tpu.memref_slice %arg2[%dma_wait3A_92, %dma_wait3A_93] : memref<16384x128xf32, #tpu.memory_space<hbm>> -> memref<16384x128xf32, #tpu.memory_space<hbm>>
      tpu.wait_indirect_dma semaphore(%arg7 : memref<!tpu.dma_semaphore, #tpu.memory_space<semaphore_mem>>) src(%dma_wait3A_94 : memref<16384x128xf32, #tpu.memory_space<hbm>>) dst(%dma_wait3A_88 : memref<128x128xf32, #tpu.memory_space<vmem>>)
      "tpu.region"() ({
        %run_scoped3A = tpu.sem_alloc : memref<!tpu.dma_semaphore, #tpu.memory_space<semaphore_mem>>
        %dma_start3A_95 = arith.constant 0 : i32
        %dma_start3A_96 = tpu.memref_slice %arg4[%add3A_13, %dma_start3A_95] : memref<327680x128xf32, #tpu.memory_space<hbm>> -> memref<512x128xf32, #tpu.memory_space<hbm>>
        %dma_start3A_97 = arith.constant 0 : i32
        %dma_start3A_98 = tpu.memref_slice %arg4[%add3A_13, %dma_start3A_97] : memref<327680x128xf32, #tpu.memory_space<hbm>> -> memref<512x128xf32, #tpu.memory_space<hbm>>
        tpu.enqueue_dma source(%arg6 : memref<512x128xf32, #tpu.memory_space<vmem>>) target(%dma_start3A_98 : memref<512x128xf32, #tpu.memory_space<hbm>>) target_semaphore(%run_scoped3A : memref<!tpu.dma_semaphore, #tpu.memory_space<semaphore_mem>>)
        %dma_wait3A_99 = arith.constant 0 : i32
        %dma_wait3A_100 = tpu.memref_slice %arg4[%add3A_13, %dma_wait3A_99] : memref<327680x128xf32, #tpu.memory_space<hbm>> -> memref<512x128xf32, #tpu.memory_space<hbm>>
        %dma_wait3A_101 = arith.constant 0 : i32
        %dma_wait3A_102 = tpu.memref_slice %arg4[%add3A_13, %dma_wait3A_101] : memref<327680x128xf32, #tpu.memory_space<hbm>> -> memref<512x128xf32, #tpu.memory_space<hbm>>
        tpu.wait_dma2 semaphore(%run_scoped3A : memref<!tpu.dma_semaphore, #tpu.memory_space<semaphore_mem>>) src(%arg6 : memref<512x128xf32, #tpu.memory_space<vmem>>) dst(%dma_wait3A_102 : memref<512x128xf32, #tpu.memory_space<hbm>>)
        tpu.yield
      }) : () -> ()
    }
    %scan3A_9 = arith.constant 20 : i32
    return
  }
}

module attributes {stable_mosaic.version = 14 : i64} {
  func.func @_knn_body(%arg0: i32, %arg1: i32, %arg2: memref<1x128x3xf32, #tpu.memory_space<vmem>>, %arg3: memref<1x2048x3xf32, #tpu.memory_space<vmem>>, %arg4: memref<1x128x20xi32, #tpu.memory_space<vmem>>, %arg5: memref<1x128x20xf32, #tpu.memory_space<vmem>>, %arg6: memref<1x128x20xf32, #tpu.memory_space<vmem>>, %arg7: memref<1x128x20xf32, #tpu.memory_space<vmem>>, %arg8: memref<1x1x1x128xf32, #tpu.memory_space<vmem>>, %arg9: memref<1x1x1x128xf32, #tpu.memory_space<vmem>>) attributes {dimension_semantics = [#tpu.dimension_semantics<arbitrary>, #tpu.dimension_semantics<arbitrary>], iteration_bounds = array<i64: 8, 16>, scalar_prefetch = 0 : i64, scratch_operands = 0 : i64, tpu.core_type = #tpu.core_type<tc>, window_params = [{transform_indices = @transform_0, window_bounds = array<i64: 1, 128, 3>}, {transform_indices = @transform_1, window_bounds = array<i64: 1, 2048, 3>}, {transform_indices = @transform_2, window_bounds = array<i64: 1, 128, 20>}, {transform_indices = @transform_3, window_bounds = array<i64: 1, 128, 20>}, {transform_indices = @transform_4, window_bounds = array<i64: 1, 128, 20>}, {transform_indices = @transform_5, window_bounds = array<i64: 1, 128, 20>}, {transform_indices = @transform_6, window_bounds = array<i64: 1, 1, 1, 128>}, {transform_indices = @transform_7, window_bounds = array<i64: 1, 1, 1, 128>}]} {
    %get3A = arith.constant 0 : index
    %get3A_0 = arith.constant 0 : index
    %get3A_1 = arith.constant 0 : index
    %get3A_2 = vector.load %arg2[%get3A, %get3A_0, %get3A_1] : memref<1x128x3xf32, #tpu.memory_space<vmem>>, vector<1x128x3xf32>
    %get3A_3 = vector.shape_cast %get3A_2 : vector<1x128x3xf32> to vector<128x3xf32>
    %get3A_4 = arith.constant 0 : index
    %get3A_5 = arith.constant 0 : index
    %get3A_6 = arith.constant 0 : index
    %get3A_7 = vector.load %arg3[%get3A_4, %get3A_5, %get3A_6] : memref<1x2048x3xf32, #tpu.memory_space<vmem>>, vector<1x2048x3xf32>
    %get3A_8 = vector.shape_cast %get3A_7 : vector<1x2048x3xf32> to vector<2048x3xf32>
    %dot_general3A = arith.constant dense<0.000000e+00> : vector<128x2048xf32>
    %dot_general3A_9 = tpu.matmul %get3A_3, %get3A_8, %dot_general3A {dimension_numbers = #tpu.dot_dimension_numbers<[1], [1], [0], [0], [0, 0, 1, 0], [], []>, transpose_lhs_hint = false} : vector<128x3xf32>, vector<2048x3xf32>, vector<128x2048xf32> -> vector<128x2048xf32>
    %mul3A = arith.constant -2.000000e+00 : f32
    %mul3A_10 = vector.broadcast %mul3A : f32 to vector<128x2048xf32>
    %mul3A_11 = arith.mulf %mul3A_10, %dot_general3A_9 : vector<128x2048xf32>
    %mul3A_12 = arith.mulf %get3A_3, %get3A_3 : vector<128x3xf32>
    %reduce_sum3A = arith.constant dense<0.000000e+00> : vector<128xf32>
    %reduce_sum3A_13 = vector.multi_reduction <add>, %mul3A_12, %reduce_sum3A [1] : vector<128x3xf32> to vector<128xf32>
    %broadcast_in_dim3A = vector.shape_cast %reduce_sum3A_13 : vector<128xf32> to vector<128x1xf32>
    %mul3A_14 = arith.mulf %get3A_8, %get3A_8 : vector<2048x3xf32>
    %reduce_sum3A_15 = arith.constant dense<0.000000e+00> : vector<2048xf32>
    %reduce_sum3A_16 = vector.multi_reduction <add>, %mul3A_14, %reduce_sum3A_15 [1] : vector<2048x3xf32> to vector<2048xf32>
    %broadcast_in_dim3A_17 = vector.shape_cast %reduce_sum3A_16 : vector<2048xf32> to vector<1x2048xf32>
    %neg3A = arith.constant 0.000000e+00 : f32
    %neg3A_18 = vector.broadcast %neg3A : f32 to vector<128x1xf32>
    %neg3A_19 = arith.subf %neg3A_18, %broadcast_in_dim3A : vector<128x1xf32>
    %sub3A = vector.broadcast %neg3A_19 : vector<128x1xf32> to vector<128x2048xf32>
    %sub3A_20 = arith.subf %sub3A, %mul3A_11 : vector<128x2048xf32>
    %sub3A_21 = vector.broadcast %broadcast_in_dim3A_17 : vector<1x2048xf32> to vector<128x2048xf32>
    %sub3A_22 = arith.subf %sub3A_20, %sub3A_21 : vector<128x2048xf32>
    %iota3A = tpu.iota {dimensions = array<i32: 1>} : vector<128x2048xi32>
    %reduce_max3A = arith.constant dense<0xFF800000> : vector<128xf32>
    %reduce_max3A_23 = vector.multi_reduction <maximumf>, %sub3A_22, %reduce_max3A [1] : vector<128x2048xf32> to vector<128xf32>
    %broadcast_in_dim3A_24 = vector.shape_cast %reduce_max3A_23 : vector<128xf32> to vector<128x1xf32>
    %eq3A = vector.broadcast %broadcast_in_dim3A_24 : vector<128x1xf32> to vector<128x2048xf32>
    %eq3A_25 = arith.cmpf oeq, %sub3A_22, %eq3A : vector<128x2048xf32>
    %jit3A = arith.constant 1073741824 : i32
    %broadcast_in_dim3A_26 = vector.broadcast %jit3A : i32 to vector<128x2048xi32>
    %select_n3A = arith.select %eq3A_25, %iota3A, %broadcast_in_dim3A_26 : vector<128x2048xi1>, vector<128x2048xi32>
    %reduce_min3A = arith.constant dense<2147483647> : vector<128xi32>
    %reduce_min3A_27 = vector.multi_reduction <minsi>, %select_n3A, %reduce_min3A [1] : vector<128x2048xi32> to vector<128xi32>
    %broadcast_in_dim3A_28 = vector.shape_cast %reduce_min3A_27 : vector<128xi32> to vector<128x1xi32>
    %eq3A_29 = vector.broadcast %broadcast_in_dim3A_28 : vector<128x1xi32> to vector<128x2048xi32>
    %eq3A_30 = arith.cmpi eq, %iota3A, %eq3A_29 : vector<128x2048xi32>
    %convert_element_type3A = arith.extui %eq3A_30 : vector<128x2048xi1> to vector<128x2048xi32>
    %convert_element_type3A_31 = arith.sitofp %convert_element_type3A : vector<128x2048xi32> to vector<128x2048xf32>
    %dot_general3A_32 = arith.constant dense<0.000000e+00> : vector<128x3xf32>
    %dot_general3A_33 = tpu.matmul %convert_element_type3A_31, %get3A_8, %dot_general3A_32 {dimension_numbers = #tpu.dot_dimension_numbers<[1], [0], [0], [1], [0, 0, 1, 1], [], []>, precision = #tpu.contract_precision<fp32>, transpose_lhs_hint = false} : vector<128x2048xf32>, vector<2048x3xf32>, vector<128x3xf32> -> vector<128x3xf32>
    %eq3A_34 = vector.broadcast %broadcast_in_dim3A_28 : vector<128x1xi32> to vector<128x2048xi32>
    %eq3A_35 = arith.cmpi eq, %iota3A, %eq3A_34 : vector<128x2048xi32>
    %jit3A_36 = arith.constant 0xFF800000 : f32
    %broadcast_in_dim3A_37 = vector.broadcast %jit3A_36 : f32 to vector<128x2048xf32>
    %select_n3A_38 = arith.select %eq3A_35, %broadcast_in_dim3A_37, %sub3A_22 : vector<128x2048xi1>, vector<128x2048xf32>
    %slice3A = vector.extract_strided_slice %dot_general3A_33 {offsets = [0, 0], sizes = [128, 1], strides = [1, 1]} : vector<128x3xf32> to vector<128x1xf32>
    %slice3A_39 = vector.extract_strided_slice %dot_general3A_33 {offsets = [0, 1], sizes = [128, 1], strides = [1, 1]} : vector<128x3xf32> to vector<128x1xf32>
    %slice3A_40 = vector.extract_strided_slice %dot_general3A_33 {offsets = [0, 2], sizes = [128, 1], strides = [1, 1]} : vector<128x3xf32> to vector<128x1xf32>
    %reduce_max3A_41 = arith.constant dense<0xFF800000> : vector<128xf32>
    %reduce_max3A_42 = vector.multi_reduction <maximumf>, %select_n3A_38, %reduce_max3A_41 [1] : vector<128x2048xf32> to vector<128xf32>
    %broadcast_in_dim3A_43 = vector.shape_cast %reduce_max3A_42 : vector<128xf32> to vector<128x1xf32>
    %eq3A_44 = vector.broadcast %broadcast_in_dim3A_43 : vector<128x1xf32> to vector<128x2048xf32>
    %eq3A_45 = arith.cmpf oeq, %select_n3A_38, %eq3A_44 : vector<128x2048xf32>
    %jit3A_46 = arith.constant 1073741824 : i32
    %broadcast_in_dim3A_47 = vector.broadcast %jit3A_46 : i32 to vector<128x2048xi32>
    %select_n3A_48 = arith.select %eq3A_45, %iota3A, %broadcast_in_dim3A_47 : vector<128x2048xi1>, vector<128x2048xi32>
    %reduce_min3A_49 = arith.constant dense<2147483647> : vector<128xi32>
    %reduce_min3A_50 = vector.multi_reduction <minsi>, %select_n3A_48, %reduce_min3A_49 [1] : vector<128x2048xi32> to vector<128xi32>
    %broadcast_in_dim3A_51 = vector.shape_cast %reduce_min3A_50 : vector<128xi32> to vector<128x1xi32>
    %eq3A_52 = vector.broadcast %broadcast_in_dim3A_51 : vector<128x1xi32> to vector<128x2048xi32>
    %eq3A_53 = arith.cmpi eq, %iota3A, %eq3A_52 : vector<128x2048xi32>
    %convert_element_type3A_54 = arith.extui %eq3A_53 : vector<128x2048xi1> to vector<128x2048xi32>
    %convert_element_type3A_55 = arith.sitofp %convert_element_type3A_54 : vector<128x2048xi32> to vector<128x2048xf32>
    %dot_general3A_56 = arith.constant dense<0.000000e+00> : vector<128x3xf32>
    %dot_general3A_57 = tpu.matmul %convert_element_type3A_55, %get3A_8, %dot_general3A_56 {dimension_numbers = #tpu.dot_dimension_numbers<[1], [0], [0], [1], [0, 0, 1, 1], [], []>, precision = #tpu.contract_precision<fp32>, transpose_lhs_hint = false} : vector<128x2048xf32>, vector<2048x3xf32>, vector<128x3xf32> -> vector<128x3xf32>
    %eq3A_58 = vector.broadcast %broadcast_in_dim3A_51 : vector<128x1xi32> to vector<128x2048xi32>
    %eq3A_59 = arith.cmpi eq, %iota3A, %eq3A_58 : vector<128x2048xi32>
    %jit3A_60 = arith.constant 0xFF800000 : f32
    %broadcast_in_dim3A_61 = vector.broadcast %jit3A_60 : f32 to vector<128x2048xf32>
    %select_n3A_62 = arith.select %eq3A_59, %broadcast_in_dim3A_61, %select_n3A_38 : vector<128x2048xi1>, vector<128x2048xf32>
    %slice3A_63 = vector.extract_strided_slice %dot_general3A_57 {offsets = [0, 0], sizes = [128, 1], strides = [1, 1]} : vector<128x3xf32> to vector<128x1xf32>
    %slice3A_64 = vector.extract_strided_slice %dot_general3A_57 {offsets = [0, 1], sizes = [128, 1], strides = [1, 1]} : vector<128x3xf32> to vector<128x1xf32>
    %slice3A_65 = vector.extract_strided_slice %dot_general3A_57 {offsets = [0, 2], sizes = [128, 1], strides = [1, 1]} : vector<128x3xf32> to vector<128x1xf32>
    %reduce_max3A_66 = arith.constant dense<0xFF800000> : vector<128xf32>
    %reduce_max3A_67 = vector.multi_reduction <maximumf>, %select_n3A_62, %reduce_max3A_66 [1] : vector<128x2048xf32> to vector<128xf32>
    %broadcast_in_dim3A_68 = vector.shape_cast %reduce_max3A_67 : vector<128xf32> to vector<128x1xf32>
    %eq3A_69 = vector.broadcast %broadcast_in_dim3A_68 : vector<128x1xf32> to vector<128x2048xf32>
    %eq3A_70 = arith.cmpf oeq, %select_n3A_62, %eq3A_69 : vector<128x2048xf32>
    %jit3A_71 = arith.constant 1073741824 : i32
    %broadcast_in_dim3A_72 = vector.broadcast %jit3A_71 : i32 to vector<128x2048xi32>
    %select_n3A_73 = arith.select %eq3A_70, %iota3A, %broadcast_in_dim3A_72 : vector<128x2048xi1>, vector<128x2048xi32>
    %reduce_min3A_74 = arith.constant dense<2147483647> : vector<128xi32>
    %reduce_min3A_75 = vector.multi_reduction <minsi>, %select_n3A_73, %reduce_min3A_74 [1] : vector<128x2048xi32> to vector<128xi32>
    %broadcast_in_dim3A_76 = vector.shape_cast %reduce_min3A_75 : vector<128xi32> to vector<128x1xi32>
    %eq3A_77 = vector.broadcast %broadcast_in_dim3A_76 : vector<128x1xi32> to vector<128x2048xi32>
    %eq3A_78 = arith.cmpi eq, %iota3A, %eq3A_77 : vector<128x2048xi32>
    %convert_element_type3A_79 = arith.extui %eq3A_78 : vector<128x2048xi1> to vector<128x2048xi32>
    %convert_element_type3A_80 = arith.sitofp %convert_element_type3A_79 : vector<128x2048xi32> to vector<128x2048xf32>
    %dot_general3A_81 = arith.constant dense<0.000000e+00> : vector<128x3xf32>
    %dot_general3A_82 = tpu.matmul %convert_element_type3A_80, %get3A_8, %dot_general3A_81 {dimension_numbers = #tpu.dot_dimension_numbers<[1], [0], [0], [1], [0, 0, 1, 1], [], []>, precision = #tpu.contract_precision<fp32>, transpose_lhs_hint = false} : vector<128x2048xf32>, vector<2048x3xf32>, vector<128x3xf32> -> vector<128x3xf32>
    %eq3A_83 = vector.broadcast %broadcast_in_dim3A_76 : vector<128x1xi32> to vector<128x2048xi32>
    %eq3A_84 = arith.cmpi eq, %iota3A, %eq3A_83 : vector<128x2048xi32>
    %jit3A_85 = arith.constant 0xFF800000 : f32
    %broadcast_in_dim3A_86 = vector.broadcast %jit3A_85 : f32 to vector<128x2048xf32>
    %select_n3A_87 = arith.select %eq3A_84, %broadcast_in_dim3A_86, %select_n3A_62 : vector<128x2048xi1>, vector<128x2048xf32>
    %slice3A_88 = vector.extract_strided_slice %dot_general3A_82 {offsets = [0, 0], sizes = [128, 1], strides = [1, 1]} : vector<128x3xf32> to vector<128x1xf32>
    %slice3A_89 = vector.extract_strided_slice %dot_general3A_82 {offsets = [0, 1], sizes = [128, 1], strides = [1, 1]} : vector<128x3xf32> to vector<128x1xf32>
    %slice3A_90 = vector.extract_strided_slice %dot_general3A_82 {offsets = [0, 2], sizes = [128, 1], strides = [1, 1]} : vector<128x3xf32> to vector<128x1xf32>
    %reduce_max3A_91 = arith.constant dense<0xFF800000> : vector<128xf32>
    %reduce_max3A_92 = vector.multi_reduction <maximumf>, %select_n3A_87, %reduce_max3A_91 [1] : vector<128x2048xf32> to vector<128xf32>
    %broadcast_in_dim3A_93 = vector.shape_cast %reduce_max3A_92 : vector<128xf32> to vector<128x1xf32>
    %eq3A_94 = vector.broadcast %broadcast_in_dim3A_93 : vector<128x1xf32> to vector<128x2048xf32>
    %eq3A_95 = arith.cmpf oeq, %select_n3A_87, %eq3A_94 : vector<128x2048xf32>
    %jit3A_96 = arith.constant 1073741824 : i32
    %broadcast_in_dim3A_97 = vector.broadcast %jit3A_96 : i32 to vector<128x2048xi32>
    %select_n3A_98 = arith.select %eq3A_95, %iota3A, %broadcast_in_dim3A_97 : vector<128x2048xi1>, vector<128x2048xi32>
    %reduce_min3A_99 = arith.constant dense<2147483647> : vector<128xi32>
    %reduce_min3A_100 = vector.multi_reduction <minsi>, %select_n3A_98, %reduce_min3A_99 [1] : vector<128x2048xi32> to vector<128xi32>
    %broadcast_in_dim3A_101 = vector.shape_cast %reduce_min3A_100 : vector<128xi32> to vector<128x1xi32>
    %eq3A_102 = vector.broadcast %broadcast_in_dim3A_101 : vector<128x1xi32> to vector<128x2048xi32>
    %eq3A_103 = arith.cmpi eq, %iota3A, %eq3A_102 : vector<128x2048xi32>
    %convert_element_type3A_104 = arith.extui %eq3A_103 : vector<128x2048xi1> to vector<128x2048xi32>
    %convert_element_type3A_105 = arith.sitofp %convert_element_type3A_104 : vector<128x2048xi32> to vector<128x2048xf32>
    %dot_general3A_106 = arith.constant dense<0.000000e+00> : vector<128x3xf32>
    %dot_general3A_107 = tpu.matmul %convert_element_type3A_105, %get3A_8, %dot_general3A_106 {dimension_numbers = #tpu.dot_dimension_numbers<[1], [0], [0], [1], [0, 0, 1, 1], [], []>, precision = #tpu.contract_precision<fp32>, transpose_lhs_hint = false} : vector<128x2048xf32>, vector<2048x3xf32>, vector<128x3xf32> -> vector<128x3xf32>
    %eq3A_108 = vector.broadcast %broadcast_in_dim3A_101 : vector<128x1xi32> to vector<128x2048xi32>
    %eq3A_109 = arith.cmpi eq, %iota3A, %eq3A_108 : vector<128x2048xi32>
    %jit3A_110 = arith.constant 0xFF800000 : f32
    %broadcast_in_dim3A_111 = vector.broadcast %jit3A_110 : f32 to vector<128x2048xf32>
    %select_n3A_112 = arith.select %eq3A_109, %broadcast_in_dim3A_111, %select_n3A_87 : vector<128x2048xi1>, vector<128x2048xf32>
    %slice3A_113 = vector.extract_strided_slice %dot_general3A_107 {offsets = [0, 0], sizes = [128, 1], strides = [1, 1]} : vector<128x3xf32> to vector<128x1xf32>
    %slice3A_114 = vector.extract_strided_slice %dot_general3A_107 {offsets = [0, 1], sizes = [128, 1], strides = [1, 1]} : vector<128x3xf32> to vector<128x1xf32>
    %slice3A_115 = vector.extract_strided_slice %dot_general3A_107 {offsets = [0, 2], sizes = [128, 1], strides = [1, 1]} : vector<128x3xf32> to vector<128x1xf32>
    %reduce_max3A_116 = arith.constant dense<0xFF800000> : vector<128xf32>
    %reduce_max3A_117 = vector.multi_reduction <maximumf>, %select_n3A_112, %reduce_max3A_116 [1] : vector<128x2048xf32> to vector<128xf32>
    %broadcast_in_dim3A_118 = vector.shape_cast %reduce_max3A_117 : vector<128xf32> to vector<128x1xf32>
    %eq3A_119 = vector.broadcast %broadcast_in_dim3A_118 : vector<128x1xf32> to vector<128x2048xf32>
    %eq3A_120 = arith.cmpf oeq, %select_n3A_112, %eq3A_119 : vector<128x2048xf32>
    %jit3A_121 = arith.constant 1073741824 : i32
    %broadcast_in_dim3A_122 = vector.broadcast %jit3A_121 : i32 to vector<128x2048xi32>
    %select_n3A_123 = arith.select %eq3A_120, %iota3A, %broadcast_in_dim3A_122 : vector<128x2048xi1>, vector<128x2048xi32>
    %reduce_min3A_124 = arith.constant dense<2147483647> : vector<128xi32>
    %reduce_min3A_125 = vector.multi_reduction <minsi>, %select_n3A_123, %reduce_min3A_124 [1] : vector<128x2048xi32> to vector<128xi32>
    %broadcast_in_dim3A_126 = vector.shape_cast %reduce_min3A_125 : vector<128xi32> to vector<128x1xi32>
    %eq3A_127 = vector.broadcast %broadcast_in_dim3A_126 : vector<128x1xi32> to vector<128x2048xi32>
    %eq3A_128 = arith.cmpi eq, %iota3A, %eq3A_127 : vector<128x2048xi32>
    %convert_element_type3A_129 = arith.extui %eq3A_128 : vector<128x2048xi1> to vector<128x2048xi32>
    %convert_element_type3A_130 = arith.sitofp %convert_element_type3A_129 : vector<128x2048xi32> to vector<128x2048xf32>
    %dot_general3A_131 = arith.constant dense<0.000000e+00> : vector<128x3xf32>
    %dot_general3A_132 = tpu.matmul %convert_element_type3A_130, %get3A_8, %dot_general3A_131 {dimension_numbers = #tpu.dot_dimension_numbers<[1], [0], [0], [1], [0, 0, 1, 1], [], []>, precision = #tpu.contract_precision<fp32>, transpose_lhs_hint = false} : vector<128x2048xf32>, vector<2048x3xf32>, vector<128x3xf32> -> vector<128x3xf32>
    %eq3A_133 = vector.broadcast %broadcast_in_dim3A_126 : vector<128x1xi32> to vector<128x2048xi32>
    %eq3A_134 = arith.cmpi eq, %iota3A, %eq3A_133 : vector<128x2048xi32>
    %jit3A_135 = arith.constant 0xFF800000 : f32
    %broadcast_in_dim3A_136 = vector.broadcast %jit3A_135 : f32 to vector<128x2048xf32>
    %select_n3A_137 = arith.select %eq3A_134, %broadcast_in_dim3A_136, %select_n3A_112 : vector<128x2048xi1>, vector<128x2048xf32>
    %slice3A_138 = vector.extract_strided_slice %dot_general3A_132 {offsets = [0, 0], sizes = [128, 1], strides = [1, 1]} : vector<128x3xf32> to vector<128x1xf32>
    %slice3A_139 = vector.extract_strided_slice %dot_general3A_132 {offsets = [0, 1], sizes = [128, 1], strides = [1, 1]} : vector<128x3xf32> to vector<128x1xf32>
    %slice3A_140 = vector.extract_strided_slice %dot_general3A_132 {offsets = [0, 2], sizes = [128, 1], strides = [1, 1]} : vector<128x3xf32> to vector<128x1xf32>
    %reduce_max3A_141 = arith.constant dense<0xFF800000> : vector<128xf32>
    %reduce_max3A_142 = vector.multi_reduction <maximumf>, %select_n3A_137, %reduce_max3A_141 [1] : vector<128x2048xf32> to vector<128xf32>
    %broadcast_in_dim3A_143 = vector.shape_cast %reduce_max3A_142 : vector<128xf32> to vector<128x1xf32>
    %eq3A_144 = vector.broadcast %broadcast_in_dim3A_143 : vector<128x1xf32> to vector<128x2048xf32>
    %eq3A_145 = arith.cmpf oeq, %select_n3A_137, %eq3A_144 : vector<128x2048xf32>
    %jit3A_146 = arith.constant 1073741824 : i32
    %broadcast_in_dim3A_147 = vector.broadcast %jit3A_146 : i32 to vector<128x2048xi32>
    %select_n3A_148 = arith.select %eq3A_145, %iota3A, %broadcast_in_dim3A_147 : vector<128x2048xi1>, vector<128x2048xi32>
    %reduce_min3A_149 = arith.constant dense<2147483647> : vector<128xi32>
    %reduce_min3A_150 = vector.multi_reduction <minsi>, %select_n3A_148, %reduce_min3A_149 [1] : vector<128x2048xi32> to vector<128xi32>
    %broadcast_in_dim3A_151 = vector.shape_cast %reduce_min3A_150 : vector<128xi32> to vector<128x1xi32>
    %eq3A_152 = vector.broadcast %broadcast_in_dim3A_151 : vector<128x1xi32> to vector<128x2048xi32>
    %eq3A_153 = arith.cmpi eq, %iota3A, %eq3A_152 : vector<128x2048xi32>
    %convert_element_type3A_154 = arith.extui %eq3A_153 : vector<128x2048xi1> to vector<128x2048xi32>
    %convert_element_type3A_155 = arith.sitofp %convert_element_type3A_154 : vector<128x2048xi32> to vector<128x2048xf32>
    %dot_general3A_156 = arith.constant dense<0.000000e+00> : vector<128x3xf32>
    %dot_general3A_157 = tpu.matmul %convert_element_type3A_155, %get3A_8, %dot_general3A_156 {dimension_numbers = #tpu.dot_dimension_numbers<[1], [0], [0], [1], [0, 0, 1, 1], [], []>, precision = #tpu.contract_precision<fp32>, transpose_lhs_hint = false} : vector<128x2048xf32>, vector<2048x3xf32>, vector<128x3xf32> -> vector<128x3xf32>
    %eq3A_158 = vector.broadcast %broadcast_in_dim3A_151 : vector<128x1xi32> to vector<128x2048xi32>
    %eq3A_159 = arith.cmpi eq, %iota3A, %eq3A_158 : vector<128x2048xi32>
    %jit3A_160 = arith.constant 0xFF800000 : f32
    %broadcast_in_dim3A_161 = vector.broadcast %jit3A_160 : f32 to vector<128x2048xf32>
    %select_n3A_162 = arith.select %eq3A_159, %broadcast_in_dim3A_161, %select_n3A_137 : vector<128x2048xi1>, vector<128x2048xf32>
    %slice3A_163 = vector.extract_strided_slice %dot_general3A_157 {offsets = [0, 0], sizes = [128, 1], strides = [1, 1]} : vector<128x3xf32> to vector<128x1xf32>
    %slice3A_164 = vector.extract_strided_slice %dot_general3A_157 {offsets = [0, 1], sizes = [128, 1], strides = [1, 1]} : vector<128x3xf32> to vector<128x1xf32>
    %slice3A_165 = vector.extract_strided_slice %dot_general3A_157 {offsets = [0, 2], sizes = [128, 1], strides = [1, 1]} : vector<128x3xf32> to vector<128x1xf32>
    %reduce_max3A_166 = arith.constant dense<0xFF800000> : vector<128xf32>
    %reduce_max3A_167 = vector.multi_reduction <maximumf>, %select_n3A_162, %reduce_max3A_166 [1] : vector<128x2048xf32> to vector<128xf32>
    %broadcast_in_dim3A_168 = vector.shape_cast %reduce_max3A_167 : vector<128xf32> to vector<128x1xf32>
    %eq3A_169 = vector.broadcast %broadcast_in_dim3A_168 : vector<128x1xf32> to vector<128x2048xf32>
    %eq3A_170 = arith.cmpf oeq, %select_n3A_162, %eq3A_169 : vector<128x2048xf32>
    %jit3A_171 = arith.constant 1073741824 : i32
    %broadcast_in_dim3A_172 = vector.broadcast %jit3A_171 : i32 to vector<128x2048xi32>
    %select_n3A_173 = arith.select %eq3A_170, %iota3A, %broadcast_in_dim3A_172 : vector<128x2048xi1>, vector<128x2048xi32>
    %reduce_min3A_174 = arith.constant dense<2147483647> : vector<128xi32>
    %reduce_min3A_175 = vector.multi_reduction <minsi>, %select_n3A_173, %reduce_min3A_174 [1] : vector<128x2048xi32> to vector<128xi32>
    %broadcast_in_dim3A_176 = vector.shape_cast %reduce_min3A_175 : vector<128xi32> to vector<128x1xi32>
    %eq3A_177 = vector.broadcast %broadcast_in_dim3A_176 : vector<128x1xi32> to vector<128x2048xi32>
    %eq3A_178 = arith.cmpi eq, %iota3A, %eq3A_177 : vector<128x2048xi32>
    %convert_element_type3A_179 = arith.extui %eq3A_178 : vector<128x2048xi1> to vector<128x2048xi32>
    %convert_element_type3A_180 = arith.sitofp %convert_element_type3A_179 : vector<128x2048xi32> to vector<128x2048xf32>
    %dot_general3A_181 = arith.constant dense<0.000000e+00> : vector<128x3xf32>
    %dot_general3A_182 = tpu.matmul %convert_element_type3A_180, %get3A_8, %dot_general3A_181 {dimension_numbers = #tpu.dot_dimension_numbers<[1], [0], [0], [1], [0, 0, 1, 1], [], []>, precision = #tpu.contract_precision<fp32>, transpose_lhs_hint = false} : vector<128x2048xf32>, vector<2048x3xf32>, vector<128x3xf32> -> vector<128x3xf32>
    %eq3A_183 = vector.broadcast %broadcast_in_dim3A_176 : vector<128x1xi32> to vector<128x2048xi32>
    %eq3A_184 = arith.cmpi eq, %iota3A, %eq3A_183 : vector<128x2048xi32>
    %jit3A_185 = arith.constant 0xFF800000 : f32
    %broadcast_in_dim3A_186 = vector.broadcast %jit3A_185 : f32 to vector<128x2048xf32>
    %select_n3A_187 = arith.select %eq3A_184, %broadcast_in_dim3A_186, %select_n3A_162 : vector<128x2048xi1>, vector<128x2048xf32>
    %slice3A_188 = vector.extract_strided_slice %dot_general3A_182 {offsets = [0, 0], sizes = [128, 1], strides = [1, 1]} : vector<128x3xf32> to vector<128x1xf32>
    %slice3A_189 = vector.extract_strided_slice %dot_general3A_182 {offsets = [0, 1], sizes = [128, 1], strides = [1, 1]} : vector<128x3xf32> to vector<128x1xf32>
    %slice3A_190 = vector.extract_strided_slice %dot_general3A_182 {offsets = [0, 2], sizes = [128, 1], strides = [1, 1]} : vector<128x3xf32> to vector<128x1xf32>
    %reduce_max3A_191 = arith.constant dense<0xFF800000> : vector<128xf32>
    %reduce_max3A_192 = vector.multi_reduction <maximumf>, %select_n3A_187, %reduce_max3A_191 [1] : vector<128x2048xf32> to vector<128xf32>
    %broadcast_in_dim3A_193 = vector.shape_cast %reduce_max3A_192 : vector<128xf32> to vector<128x1xf32>
    %eq3A_194 = vector.broadcast %broadcast_in_dim3A_193 : vector<128x1xf32> to vector<128x2048xf32>
    %eq3A_195 = arith.cmpf oeq, %select_n3A_187, %eq3A_194 : vector<128x2048xf32>
    %jit3A_196 = arith.constant 1073741824 : i32
    %broadcast_in_dim3A_197 = vector.broadcast %jit3A_196 : i32 to vector<128x2048xi32>
    %select_n3A_198 = arith.select %eq3A_195, %iota3A, %broadcast_in_dim3A_197 : vector<128x2048xi1>, vector<128x2048xi32>
    %reduce_min3A_199 = arith.constant dense<2147483647> : vector<128xi32>
    %reduce_min3A_200 = vector.multi_reduction <minsi>, %select_n3A_198, %reduce_min3A_199 [1] : vector<128x2048xi32> to vector<128xi32>
    %broadcast_in_dim3A_201 = vector.shape_cast %reduce_min3A_200 : vector<128xi32> to vector<128x1xi32>
    %eq3A_202 = vector.broadcast %broadcast_in_dim3A_201 : vector<128x1xi32> to vector<128x2048xi32>
    %eq3A_203 = arith.cmpi eq, %iota3A, %eq3A_202 : vector<128x2048xi32>
    %convert_element_type3A_204 = arith.extui %eq3A_203 : vector<128x2048xi1> to vector<128x2048xi32>
    %convert_element_type3A_205 = arith.sitofp %convert_element_type3A_204 : vector<128x2048xi32> to vector<128x2048xf32>
    %dot_general3A_206 = arith.constant dense<0.000000e+00> : vector<128x3xf32>
    %dot_general3A_207 = tpu.matmul %convert_element_type3A_205, %get3A_8, %dot_general3A_206 {dimension_numbers = #tpu.dot_dimension_numbers<[1], [0], [0], [1], [0, 0, 1, 1], [], []>, precision = #tpu.contract_precision<fp32>, transpose_lhs_hint = false} : vector<128x2048xf32>, vector<2048x3xf32>, vector<128x3xf32> -> vector<128x3xf32>
    %eq3A_208 = vector.broadcast %broadcast_in_dim3A_201 : vector<128x1xi32> to vector<128x2048xi32>
    %eq3A_209 = arith.cmpi eq, %iota3A, %eq3A_208 : vector<128x2048xi32>
    %jit3A_210 = arith.constant 0xFF800000 : f32
    %broadcast_in_dim3A_211 = vector.broadcast %jit3A_210 : f32 to vector<128x2048xf32>
    %select_n3A_212 = arith.select %eq3A_209, %broadcast_in_dim3A_211, %select_n3A_187 : vector<128x2048xi1>, vector<128x2048xf32>
    %slice3A_213 = vector.extract_strided_slice %dot_general3A_207 {offsets = [0, 0], sizes = [128, 1], strides = [1, 1]} : vector<128x3xf32> to vector<128x1xf32>
    %slice3A_214 = vector.extract_strided_slice %dot_general3A_207 {offsets = [0, 1], sizes = [128, 1], strides = [1, 1]} : vector<128x3xf32> to vector<128x1xf32>
    %slice3A_215 = vector.extract_strided_slice %dot_general3A_207 {offsets = [0, 2], sizes = [128, 1], strides = [1, 1]} : vector<128x3xf32> to vector<128x1xf32>
    %reduce_max3A_216 = arith.constant dense<0xFF800000> : vector<128xf32>
    %reduce_max3A_217 = vector.multi_reduction <maximumf>, %select_n3A_212, %reduce_max3A_216 [1] : vector<128x2048xf32> to vector<128xf32>
    %broadcast_in_dim3A_218 = vector.shape_cast %reduce_max3A_217 : vector<128xf32> to vector<128x1xf32>
    %eq3A_219 = vector.broadcast %broadcast_in_dim3A_218 : vector<128x1xf32> to vector<128x2048xf32>
    %eq3A_220 = arith.cmpf oeq, %select_n3A_212, %eq3A_219 : vector<128x2048xf32>
    %jit3A_221 = arith.constant 1073741824 : i32
    %broadcast_in_dim3A_222 = vector.broadcast %jit3A_221 : i32 to vector<128x2048xi32>
    %select_n3A_223 = arith.select %eq3A_220, %iota3A, %broadcast_in_dim3A_222 : vector<128x2048xi1>, vector<128x2048xi32>
    %reduce_min3A_224 = arith.constant dense<2147483647> : vector<128xi32>
    %reduce_min3A_225 = vector.multi_reduction <minsi>, %select_n3A_223, %reduce_min3A_224 [1] : vector<128x2048xi32> to vector<128xi32>
    %broadcast_in_dim3A_226 = vector.shape_cast %reduce_min3A_225 : vector<128xi32> to vector<128x1xi32>
    %eq3A_227 = vector.broadcast %broadcast_in_dim3A_226 : vector<128x1xi32> to vector<128x2048xi32>
    %eq3A_228 = arith.cmpi eq, %iota3A, %eq3A_227 : vector<128x2048xi32>
    %convert_element_type3A_229 = arith.extui %eq3A_228 : vector<128x2048xi1> to vector<128x2048xi32>
    %convert_element_type3A_230 = arith.sitofp %convert_element_type3A_229 : vector<128x2048xi32> to vector<128x2048xf32>
    %dot_general3A_231 = arith.constant dense<0.000000e+00> : vector<128x3xf32>
    %dot_general3A_232 = tpu.matmul %convert_element_type3A_230, %get3A_8, %dot_general3A_231 {dimension_numbers = #tpu.dot_dimension_numbers<[1], [0], [0], [1], [0, 0, 1, 1], [], []>, precision = #tpu.contract_precision<fp32>, transpose_lhs_hint = false} : vector<128x2048xf32>, vector<2048x3xf32>, vector<128x3xf32> -> vector<128x3xf32>
    %eq3A_233 = vector.broadcast %broadcast_in_dim3A_226 : vector<128x1xi32> to vector<128x2048xi32>
    %eq3A_234 = arith.cmpi eq, %iota3A, %eq3A_233 : vector<128x2048xi32>
    %jit3A_235 = arith.constant 0xFF800000 : f32
    %broadcast_in_dim3A_236 = vector.broadcast %jit3A_235 : f32 to vector<128x2048xf32>
    %select_n3A_237 = arith.select %eq3A_234, %broadcast_in_dim3A_236, %select_n3A_212 : vector<128x2048xi1>, vector<128x2048xf32>
    %slice3A_238 = vector.extract_strided_slice %dot_general3A_232 {offsets = [0, 0], sizes = [128, 1], strides = [1, 1]} : vector<128x3xf32> to vector<128x1xf32>
    %slice3A_239 = vector.extract_strided_slice %dot_general3A_232 {offsets = [0, 1], sizes = [128, 1], strides = [1, 1]} : vector<128x3xf32> to vector<128x1xf32>
    %slice3A_240 = vector.extract_strided_slice %dot_general3A_232 {offsets = [0, 2], sizes = [128, 1], strides = [1, 1]} : vector<128x3xf32> to vector<128x1xf32>
    %reduce_max3A_241 = arith.constant dense<0xFF800000> : vector<128xf32>
    %reduce_max3A_242 = vector.multi_reduction <maximumf>, %select_n3A_237, %reduce_max3A_241 [1] : vector<128x2048xf32> to vector<128xf32>
    %broadcast_in_dim3A_243 = vector.shape_cast %reduce_max3A_242 : vector<128xf32> to vector<128x1xf32>
    %eq3A_244 = vector.broadcast %broadcast_in_dim3A_243 : vector<128x1xf32> to vector<128x2048xf32>
    %eq3A_245 = arith.cmpf oeq, %select_n3A_237, %eq3A_244 : vector<128x2048xf32>
    %jit3A_246 = arith.constant 1073741824 : i32
    %broadcast_in_dim3A_247 = vector.broadcast %jit3A_246 : i32 to vector<128x2048xi32>
    %select_n3A_248 = arith.select %eq3A_245, %iota3A, %broadcast_in_dim3A_247 : vector<128x2048xi1>, vector<128x2048xi32>
    %reduce_min3A_249 = arith.constant dense<2147483647> : vector<128xi32>
    %reduce_min3A_250 = vector.multi_reduction <minsi>, %select_n3A_248, %reduce_min3A_249 [1] : vector<128x2048xi32> to vector<128xi32>
    %broadcast_in_dim3A_251 = vector.shape_cast %reduce_min3A_250 : vector<128xi32> to vector<128x1xi32>
    %eq3A_252 = vector.broadcast %broadcast_in_dim3A_251 : vector<128x1xi32> to vector<128x2048xi32>
    %eq3A_253 = arith.cmpi eq, %iota3A, %eq3A_252 : vector<128x2048xi32>
    %convert_element_type3A_254 = arith.extui %eq3A_253 : vector<128x2048xi1> to vector<128x2048xi32>
    %convert_element_type3A_255 = arith.sitofp %convert_element_type3A_254 : vector<128x2048xi32> to vector<128x2048xf32>
    %dot_general3A_256 = arith.constant dense<0.000000e+00> : vector<128x3xf32>
    %dot_general3A_257 = tpu.matmul %convert_element_type3A_255, %get3A_8, %dot_general3A_256 {dimension_numbers = #tpu.dot_dimension_numbers<[1], [0], [0], [1], [0, 0, 1, 1], [], []>, precision = #tpu.contract_precision<fp32>, transpose_lhs_hint = false} : vector<128x2048xf32>, vector<2048x3xf32>, vector<128x3xf32> -> vector<128x3xf32>
    %eq3A_258 = vector.broadcast %broadcast_in_dim3A_251 : vector<128x1xi32> to vector<128x2048xi32>
    %eq3A_259 = arith.cmpi eq, %iota3A, %eq3A_258 : vector<128x2048xi32>
    %jit3A_260 = arith.constant 0xFF800000 : f32
    %broadcast_in_dim3A_261 = vector.broadcast %jit3A_260 : f32 to vector<128x2048xf32>
    %select_n3A_262 = arith.select %eq3A_259, %broadcast_in_dim3A_261, %select_n3A_237 : vector<128x2048xi1>, vector<128x2048xf32>
    %slice3A_263 = vector.extract_strided_slice %dot_general3A_257 {offsets = [0, 0], sizes = [128, 1], strides = [1, 1]} : vector<128x3xf32> to vector<128x1xf32>
    %slice3A_264 = vector.extract_strided_slice %dot_general3A_257 {offsets = [0, 1], sizes = [128, 1], strides = [1, 1]} : vector<128x3xf32> to vector<128x1xf32>
    %slice3A_265 = vector.extract_strided_slice %dot_general3A_257 {offsets = [0, 2], sizes = [128, 1], strides = [1, 1]} : vector<128x3xf32> to vector<128x1xf32>
    %reduce_max3A_266 = arith.constant dense<0xFF800000> : vector<128xf32>
    %reduce_max3A_267 = vector.multi_reduction <maximumf>, %select_n3A_262, %reduce_max3A_266 [1] : vector<128x2048xf32> to vector<128xf32>
    %broadcast_in_dim3A_268 = vector.shape_cast %reduce_max3A_267 : vector<128xf32> to vector<128x1xf32>
    %eq3A_269 = vector.broadcast %broadcast_in_dim3A_268 : vector<128x1xf32> to vector<128x2048xf32>
    %eq3A_270 = arith.cmpf oeq, %select_n3A_262, %eq3A_269 : vector<128x2048xf32>
    %jit3A_271 = arith.constant 1073741824 : i32
    %broadcast_in_dim3A_272 = vector.broadcast %jit3A_271 : i32 to vector<128x2048xi32>
    %select_n3A_273 = arith.select %eq3A_270, %iota3A, %broadcast_in_dim3A_272 : vector<128x2048xi1>, vector<128x2048xi32>
    %reduce_min3A_274 = arith.constant dense<2147483647> : vector<128xi32>
    %reduce_min3A_275 = vector.multi_reduction <minsi>, %select_n3A_273, %reduce_min3A_274 [1] : vector<128x2048xi32> to vector<128xi32>
    %broadcast_in_dim3A_276 = vector.shape_cast %reduce_min3A_275 : vector<128xi32> to vector<128x1xi32>
    %eq3A_277 = vector.broadcast %broadcast_in_dim3A_276 : vector<128x1xi32> to vector<128x2048xi32>
    %eq3A_278 = arith.cmpi eq, %iota3A, %eq3A_277 : vector<128x2048xi32>
    %convert_element_type3A_279 = arith.extui %eq3A_278 : vector<128x2048xi1> to vector<128x2048xi32>
    %convert_element_type3A_280 = arith.sitofp %convert_element_type3A_279 : vector<128x2048xi32> to vector<128x2048xf32>
    %dot_general3A_281 = arith.constant dense<0.000000e+00> : vector<128x3xf32>
    %dot_general3A_282 = tpu.matmul %convert_element_type3A_280, %get3A_8, %dot_general3A_281 {dimension_numbers = #tpu.dot_dimension_numbers<[1], [0], [0], [1], [0, 0, 1, 1], [], []>, precision = #tpu.contract_precision<fp32>, transpose_lhs_hint = false} : vector<128x2048xf32>, vector<2048x3xf32>, vector<128x3xf32> -> vector<128x3xf32>
    %eq3A_283 = vector.broadcast %broadcast_in_dim3A_276 : vector<128x1xi32> to vector<128x2048xi32>
    %eq3A_284 = arith.cmpi eq, %iota3A, %eq3A_283 : vector<128x2048xi32>
    %jit3A_285 = arith.constant 0xFF800000 : f32
    %broadcast_in_dim3A_286 = vector.broadcast %jit3A_285 : f32 to vector<128x2048xf32>
    %select_n3A_287 = arith.select %eq3A_284, %broadcast_in_dim3A_286, %select_n3A_262 : vector<128x2048xi1>, vector<128x2048xf32>
    %slice3A_288 = vector.extract_strided_slice %dot_general3A_282 {offsets = [0, 0], sizes = [128, 1], strides = [1, 1]} : vector<128x3xf32> to vector<128x1xf32>
    %slice3A_289 = vector.extract_strided_slice %dot_general3A_282 {offsets = [0, 1], sizes = [128, 1], strides = [1, 1]} : vector<128x3xf32> to vector<128x1xf32>
    %slice3A_290 = vector.extract_strided_slice %dot_general3A_282 {offsets = [0, 2], sizes = [128, 1], strides = [1, 1]} : vector<128x3xf32> to vector<128x1xf32>
    %reduce_max3A_291 = arith.constant dense<0xFF800000> : vector<128xf32>
    %reduce_max3A_292 = vector.multi_reduction <maximumf>, %select_n3A_287, %reduce_max3A_291 [1] : vector<128x2048xf32> to vector<128xf32>
    %broadcast_in_dim3A_293 = vector.shape_cast %reduce_max3A_292 : vector<128xf32> to vector<128x1xf32>
    %eq3A_294 = vector.broadcast %broadcast_in_dim3A_293 : vector<128x1xf32> to vector<128x2048xf32>
    %eq3A_295 = arith.cmpf oeq, %select_n3A_287, %eq3A_294 : vector<128x2048xf32>
    %jit3A_296 = arith.constant 1073741824 : i32
    %broadcast_in_dim3A_297 = vector.broadcast %jit3A_296 : i32 to vector<128x2048xi32>
    %select_n3A_298 = arith.select %eq3A_295, %iota3A, %broadcast_in_dim3A_297 : vector<128x2048xi1>, vector<128x2048xi32>
    %reduce_min3A_299 = arith.constant dense<2147483647> : vector<128xi32>
    %reduce_min3A_300 = vector.multi_reduction <minsi>, %select_n3A_298, %reduce_min3A_299 [1] : vector<128x2048xi32> to vector<128xi32>
    %broadcast_in_dim3A_301 = vector.shape_cast %reduce_min3A_300 : vector<128xi32> to vector<128x1xi32>
    %eq3A_302 = vector.broadcast %broadcast_in_dim3A_301 : vector<128x1xi32> to vector<128x2048xi32>
    %eq3A_303 = arith.cmpi eq, %iota3A, %eq3A_302 : vector<128x2048xi32>
    %convert_element_type3A_304 = arith.extui %eq3A_303 : vector<128x2048xi1> to vector<128x2048xi32>
    %convert_element_type3A_305 = arith.sitofp %convert_element_type3A_304 : vector<128x2048xi32> to vector<128x2048xf32>
    %dot_general3A_306 = arith.constant dense<0.000000e+00> : vector<128x3xf32>
    %dot_general3A_307 = tpu.matmul %convert_element_type3A_305, %get3A_8, %dot_general3A_306 {dimension_numbers = #tpu.dot_dimension_numbers<[1], [0], [0], [1], [0, 0, 1, 1], [], []>, precision = #tpu.contract_precision<fp32>, transpose_lhs_hint = false} : vector<128x2048xf32>, vector<2048x3xf32>, vector<128x3xf32> -> vector<128x3xf32>
    %eq3A_308 = vector.broadcast %broadcast_in_dim3A_301 : vector<128x1xi32> to vector<128x2048xi32>
    %eq3A_309 = arith.cmpi eq, %iota3A, %eq3A_308 : vector<128x2048xi32>
    %jit3A_310 = arith.constant 0xFF800000 : f32
    %broadcast_in_dim3A_311 = vector.broadcast %jit3A_310 : f32 to vector<128x2048xf32>
    %select_n3A_312 = arith.select %eq3A_309, %broadcast_in_dim3A_311, %select_n3A_287 : vector<128x2048xi1>, vector<128x2048xf32>
    %slice3A_313 = vector.extract_strided_slice %dot_general3A_307 {offsets = [0, 0], sizes = [128, 1], strides = [1, 1]} : vector<128x3xf32> to vector<128x1xf32>
    %slice3A_314 = vector.extract_strided_slice %dot_general3A_307 {offsets = [0, 1], sizes = [128, 1], strides = [1, 1]} : vector<128x3xf32> to vector<128x1xf32>
    %slice3A_315 = vector.extract_strided_slice %dot_general3A_307 {offsets = [0, 2], sizes = [128, 1], strides = [1, 1]} : vector<128x3xf32> to vector<128x1xf32>
    %reduce_max3A_316 = arith.constant dense<0xFF800000> : vector<128xf32>
    %reduce_max3A_317 = vector.multi_reduction <maximumf>, %select_n3A_312, %reduce_max3A_316 [1] : vector<128x2048xf32> to vector<128xf32>
    %broadcast_in_dim3A_318 = vector.shape_cast %reduce_max3A_317 : vector<128xf32> to vector<128x1xf32>
    %eq3A_319 = vector.broadcast %broadcast_in_dim3A_318 : vector<128x1xf32> to vector<128x2048xf32>
    %eq3A_320 = arith.cmpf oeq, %select_n3A_312, %eq3A_319 : vector<128x2048xf32>
    %jit3A_321 = arith.constant 1073741824 : i32
    %broadcast_in_dim3A_322 = vector.broadcast %jit3A_321 : i32 to vector<128x2048xi32>
    %select_n3A_323 = arith.select %eq3A_320, %iota3A, %broadcast_in_dim3A_322 : vector<128x2048xi1>, vector<128x2048xi32>
    %reduce_min3A_324 = arith.constant dense<2147483647> : vector<128xi32>
    %reduce_min3A_325 = vector.multi_reduction <minsi>, %select_n3A_323, %reduce_min3A_324 [1] : vector<128x2048xi32> to vector<128xi32>
    %broadcast_in_dim3A_326 = vector.shape_cast %reduce_min3A_325 : vector<128xi32> to vector<128x1xi32>
    %eq3A_327 = vector.broadcast %broadcast_in_dim3A_326 : vector<128x1xi32> to vector<128x2048xi32>
    %eq3A_328 = arith.cmpi eq, %iota3A, %eq3A_327 : vector<128x2048xi32>
    %convert_element_type3A_329 = arith.extui %eq3A_328 : vector<128x2048xi1> to vector<128x2048xi32>
    %convert_element_type3A_330 = arith.sitofp %convert_element_type3A_329 : vector<128x2048xi32> to vector<128x2048xf32>
    %dot_general3A_331 = arith.constant dense<0.000000e+00> : vector<128x3xf32>
    %dot_general3A_332 = tpu.matmul %convert_element_type3A_330, %get3A_8, %dot_general3A_331 {dimension_numbers = #tpu.dot_dimension_numbers<[1], [0], [0], [1], [0, 0, 1, 1], [], []>, precision = #tpu.contract_precision<fp32>, transpose_lhs_hint = false} : vector<128x2048xf32>, vector<2048x3xf32>, vector<128x3xf32> -> vector<128x3xf32>
    %eq3A_333 = vector.broadcast %broadcast_in_dim3A_326 : vector<128x1xi32> to vector<128x2048xi32>
    %eq3A_334 = arith.cmpi eq, %iota3A, %eq3A_333 : vector<128x2048xi32>
    %jit3A_335 = arith.constant 0xFF800000 : f32
    %broadcast_in_dim3A_336 = vector.broadcast %jit3A_335 : f32 to vector<128x2048xf32>
    %select_n3A_337 = arith.select %eq3A_334, %broadcast_in_dim3A_336, %select_n3A_312 : vector<128x2048xi1>, vector<128x2048xf32>
    %slice3A_338 = vector.extract_strided_slice %dot_general3A_332 {offsets = [0, 0], sizes = [128, 1], strides = [1, 1]} : vector<128x3xf32> to vector<128x1xf32>
    %slice3A_339 = vector.extract_strided_slice %dot_general3A_332 {offsets = [0, 1], sizes = [128, 1], strides = [1, 1]} : vector<128x3xf32> to vector<128x1xf32>
    %slice3A_340 = vector.extract_strided_slice %dot_general3A_332 {offsets = [0, 2], sizes = [128, 1], strides = [1, 1]} : vector<128x3xf32> to vector<128x1xf32>
    %reduce_max3A_341 = arith.constant dense<0xFF800000> : vector<128xf32>
    %reduce_max3A_342 = vector.multi_reduction <maximumf>, %select_n3A_337, %reduce_max3A_341 [1] : vector<128x2048xf32> to vector<128xf32>
    %broadcast_in_dim3A_343 = vector.shape_cast %reduce_max3A_342 : vector<128xf32> to vector<128x1xf32>
    %eq3A_344 = vector.broadcast %broadcast_in_dim3A_343 : vector<128x1xf32> to vector<128x2048xf32>
    %eq3A_345 = arith.cmpf oeq, %select_n3A_337, %eq3A_344 : vector<128x2048xf32>
    %jit3A_346 = arith.constant 1073741824 : i32
    %broadcast_in_dim3A_347 = vector.broadcast %jit3A_346 : i32 to vector<128x2048xi32>
    %select_n3A_348 = arith.select %eq3A_345, %iota3A, %broadcast_in_dim3A_347 : vector<128x2048xi1>, vector<128x2048xi32>
    %reduce_min3A_349 = arith.constant dense<2147483647> : vector<128xi32>
    %reduce_min3A_350 = vector.multi_reduction <minsi>, %select_n3A_348, %reduce_min3A_349 [1] : vector<128x2048xi32> to vector<128xi32>
    %broadcast_in_dim3A_351 = vector.shape_cast %reduce_min3A_350 : vector<128xi32> to vector<128x1xi32>
    %eq3A_352 = vector.broadcast %broadcast_in_dim3A_351 : vector<128x1xi32> to vector<128x2048xi32>
    %eq3A_353 = arith.cmpi eq, %iota3A, %eq3A_352 : vector<128x2048xi32>
    %convert_element_type3A_354 = arith.extui %eq3A_353 : vector<128x2048xi1> to vector<128x2048xi32>
    %convert_element_type3A_355 = arith.sitofp %convert_element_type3A_354 : vector<128x2048xi32> to vector<128x2048xf32>
    %dot_general3A_356 = arith.constant dense<0.000000e+00> : vector<128x3xf32>
    %dot_general3A_357 = tpu.matmul %convert_element_type3A_355, %get3A_8, %dot_general3A_356 {dimension_numbers = #tpu.dot_dimension_numbers<[1], [0], [0], [1], [0, 0, 1, 1], [], []>, precision = #tpu.contract_precision<fp32>, transpose_lhs_hint = false} : vector<128x2048xf32>, vector<2048x3xf32>, vector<128x3xf32> -> vector<128x3xf32>
    %eq3A_358 = vector.broadcast %broadcast_in_dim3A_351 : vector<128x1xi32> to vector<128x2048xi32>
    %eq3A_359 = arith.cmpi eq, %iota3A, %eq3A_358 : vector<128x2048xi32>
    %jit3A_360 = arith.constant 0xFF800000 : f32
    %broadcast_in_dim3A_361 = vector.broadcast %jit3A_360 : f32 to vector<128x2048xf32>
    %select_n3A_362 = arith.select %eq3A_359, %broadcast_in_dim3A_361, %select_n3A_337 : vector<128x2048xi1>, vector<128x2048xf32>
    %slice3A_363 = vector.extract_strided_slice %dot_general3A_357 {offsets = [0, 0], sizes = [128, 1], strides = [1, 1]} : vector<128x3xf32> to vector<128x1xf32>
    %slice3A_364 = vector.extract_strided_slice %dot_general3A_357 {offsets = [0, 1], sizes = [128, 1], strides = [1, 1]} : vector<128x3xf32> to vector<128x1xf32>
    %slice3A_365 = vector.extract_strided_slice %dot_general3A_357 {offsets = [0, 2], sizes = [128, 1], strides = [1, 1]} : vector<128x3xf32> to vector<128x1xf32>
    %reduce_max3A_366 = arith.constant dense<0xFF800000> : vector<128xf32>
    %reduce_max3A_367 = vector.multi_reduction <maximumf>, %select_n3A_362, %reduce_max3A_366 [1] : vector<128x2048xf32> to vector<128xf32>
    %broadcast_in_dim3A_368 = vector.shape_cast %reduce_max3A_367 : vector<128xf32> to vector<128x1xf32>
    %eq3A_369 = vector.broadcast %broadcast_in_dim3A_368 : vector<128x1xf32> to vector<128x2048xf32>
    %eq3A_370 = arith.cmpf oeq, %select_n3A_362, %eq3A_369 : vector<128x2048xf32>
    %jit3A_371 = arith.constant 1073741824 : i32
    %broadcast_in_dim3A_372 = vector.broadcast %jit3A_371 : i32 to vector<128x2048xi32>
    %select_n3A_373 = arith.select %eq3A_370, %iota3A, %broadcast_in_dim3A_372 : vector<128x2048xi1>, vector<128x2048xi32>
    %reduce_min3A_374 = arith.constant dense<2147483647> : vector<128xi32>
    %reduce_min3A_375 = vector.multi_reduction <minsi>, %select_n3A_373, %reduce_min3A_374 [1] : vector<128x2048xi32> to vector<128xi32>
    %broadcast_in_dim3A_376 = vector.shape_cast %reduce_min3A_375 : vector<128xi32> to vector<128x1xi32>
    %eq3A_377 = vector.broadcast %broadcast_in_dim3A_376 : vector<128x1xi32> to vector<128x2048xi32>
    %eq3A_378 = arith.cmpi eq, %iota3A, %eq3A_377 : vector<128x2048xi32>
    %convert_element_type3A_379 = arith.extui %eq3A_378 : vector<128x2048xi1> to vector<128x2048xi32>
    %convert_element_type3A_380 = arith.sitofp %convert_element_type3A_379 : vector<128x2048xi32> to vector<128x2048xf32>
    %dot_general3A_381 = arith.constant dense<0.000000e+00> : vector<128x3xf32>
    %dot_general3A_382 = tpu.matmul %convert_element_type3A_380, %get3A_8, %dot_general3A_381 {dimension_numbers = #tpu.dot_dimension_numbers<[1], [0], [0], [1], [0, 0, 1, 1], [], []>, precision = #tpu.contract_precision<fp32>, transpose_lhs_hint = false} : vector<128x2048xf32>, vector<2048x3xf32>, vector<128x3xf32> -> vector<128x3xf32>
    %eq3A_383 = vector.broadcast %broadcast_in_dim3A_376 : vector<128x1xi32> to vector<128x2048xi32>
    %eq3A_384 = arith.cmpi eq, %iota3A, %eq3A_383 : vector<128x2048xi32>
    %jit3A_385 = arith.constant 0xFF800000 : f32
    %broadcast_in_dim3A_386 = vector.broadcast %jit3A_385 : f32 to vector<128x2048xf32>
    %select_n3A_387 = arith.select %eq3A_384, %broadcast_in_dim3A_386, %select_n3A_362 : vector<128x2048xi1>, vector<128x2048xf32>
    %slice3A_388 = vector.extract_strided_slice %dot_general3A_382 {offsets = [0, 0], sizes = [128, 1], strides = [1, 1]} : vector<128x3xf32> to vector<128x1xf32>
    %slice3A_389 = vector.extract_strided_slice %dot_general3A_382 {offsets = [0, 1], sizes = [128, 1], strides = [1, 1]} : vector<128x3xf32> to vector<128x1xf32>
    %slice3A_390 = vector.extract_strided_slice %dot_general3A_382 {offsets = [0, 2], sizes = [128, 1], strides = [1, 1]} : vector<128x3xf32> to vector<128x1xf32>
    %reduce_max3A_391 = arith.constant dense<0xFF800000> : vector<128xf32>
    %reduce_max3A_392 = vector.multi_reduction <maximumf>, %select_n3A_387, %reduce_max3A_391 [1] : vector<128x2048xf32> to vector<128xf32>
    %broadcast_in_dim3A_393 = vector.shape_cast %reduce_max3A_392 : vector<128xf32> to vector<128x1xf32>
    %eq3A_394 = vector.broadcast %broadcast_in_dim3A_393 : vector<128x1xf32> to vector<128x2048xf32>
    %eq3A_395 = arith.cmpf oeq, %select_n3A_387, %eq3A_394 : vector<128x2048xf32>
    %jit3A_396 = arith.constant 1073741824 : i32
    %broadcast_in_dim3A_397 = vector.broadcast %jit3A_396 : i32 to vector<128x2048xi32>
    %select_n3A_398 = arith.select %eq3A_395, %iota3A, %broadcast_in_dim3A_397 : vector<128x2048xi1>, vector<128x2048xi32>
    %reduce_min3A_399 = arith.constant dense<2147483647> : vector<128xi32>
    %reduce_min3A_400 = vector.multi_reduction <minsi>, %select_n3A_398, %reduce_min3A_399 [1] : vector<128x2048xi32> to vector<128xi32>
    %broadcast_in_dim3A_401 = vector.shape_cast %reduce_min3A_400 : vector<128xi32> to vector<128x1xi32>
    %eq3A_402 = vector.broadcast %broadcast_in_dim3A_401 : vector<128x1xi32> to vector<128x2048xi32>
    %eq3A_403 = arith.cmpi eq, %iota3A, %eq3A_402 : vector<128x2048xi32>
    %convert_element_type3A_404 = arith.extui %eq3A_403 : vector<128x2048xi1> to vector<128x2048xi32>
    %convert_element_type3A_405 = arith.sitofp %convert_element_type3A_404 : vector<128x2048xi32> to vector<128x2048xf32>
    %dot_general3A_406 = arith.constant dense<0.000000e+00> : vector<128x3xf32>
    %dot_general3A_407 = tpu.matmul %convert_element_type3A_405, %get3A_8, %dot_general3A_406 {dimension_numbers = #tpu.dot_dimension_numbers<[1], [0], [0], [1], [0, 0, 1, 1], [], []>, precision = #tpu.contract_precision<fp32>, transpose_lhs_hint = false} : vector<128x2048xf32>, vector<2048x3xf32>, vector<128x3xf32> -> vector<128x3xf32>
    %eq3A_408 = vector.broadcast %broadcast_in_dim3A_401 : vector<128x1xi32> to vector<128x2048xi32>
    %eq3A_409 = arith.cmpi eq, %iota3A, %eq3A_408 : vector<128x2048xi32>
    %jit3A_410 = arith.constant 0xFF800000 : f32
    %broadcast_in_dim3A_411 = vector.broadcast %jit3A_410 : f32 to vector<128x2048xf32>
    %select_n3A_412 = arith.select %eq3A_409, %broadcast_in_dim3A_411, %select_n3A_387 : vector<128x2048xi1>, vector<128x2048xf32>
    %slice3A_413 = vector.extract_strided_slice %dot_general3A_407 {offsets = [0, 0], sizes = [128, 1], strides = [1, 1]} : vector<128x3xf32> to vector<128x1xf32>
    %slice3A_414 = vector.extract_strided_slice %dot_general3A_407 {offsets = [0, 1], sizes = [128, 1], strides = [1, 1]} : vector<128x3xf32> to vector<128x1xf32>
    %slice3A_415 = vector.extract_strided_slice %dot_general3A_407 {offsets = [0, 2], sizes = [128, 1], strides = [1, 1]} : vector<128x3xf32> to vector<128x1xf32>
    %reduce_max3A_416 = arith.constant dense<0xFF800000> : vector<128xf32>
    %reduce_max3A_417 = vector.multi_reduction <maximumf>, %select_n3A_412, %reduce_max3A_416 [1] : vector<128x2048xf32> to vector<128xf32>
    %broadcast_in_dim3A_418 = vector.shape_cast %reduce_max3A_417 : vector<128xf32> to vector<128x1xf32>
    %eq3A_419 = vector.broadcast %broadcast_in_dim3A_418 : vector<128x1xf32> to vector<128x2048xf32>
    %eq3A_420 = arith.cmpf oeq, %select_n3A_412, %eq3A_419 : vector<128x2048xf32>
    %jit3A_421 = arith.constant 1073741824 : i32
    %broadcast_in_dim3A_422 = vector.broadcast %jit3A_421 : i32 to vector<128x2048xi32>
    %select_n3A_423 = arith.select %eq3A_420, %iota3A, %broadcast_in_dim3A_422 : vector<128x2048xi1>, vector<128x2048xi32>
    %reduce_min3A_424 = arith.constant dense<2147483647> : vector<128xi32>
    %reduce_min3A_425 = vector.multi_reduction <minsi>, %select_n3A_423, %reduce_min3A_424 [1] : vector<128x2048xi32> to vector<128xi32>
    %broadcast_in_dim3A_426 = vector.shape_cast %reduce_min3A_425 : vector<128xi32> to vector<128x1xi32>
    %eq3A_427 = vector.broadcast %broadcast_in_dim3A_426 : vector<128x1xi32> to vector<128x2048xi32>
    %eq3A_428 = arith.cmpi eq, %iota3A, %eq3A_427 : vector<128x2048xi32>
    %convert_element_type3A_429 = arith.extui %eq3A_428 : vector<128x2048xi1> to vector<128x2048xi32>
    %convert_element_type3A_430 = arith.sitofp %convert_element_type3A_429 : vector<128x2048xi32> to vector<128x2048xf32>
    %dot_general3A_431 = arith.constant dense<0.000000e+00> : vector<128x3xf32>
    %dot_general3A_432 = tpu.matmul %convert_element_type3A_430, %get3A_8, %dot_general3A_431 {dimension_numbers = #tpu.dot_dimension_numbers<[1], [0], [0], [1], [0, 0, 1, 1], [], []>, precision = #tpu.contract_precision<fp32>, transpose_lhs_hint = false} : vector<128x2048xf32>, vector<2048x3xf32>, vector<128x3xf32> -> vector<128x3xf32>
    %eq3A_433 = vector.broadcast %broadcast_in_dim3A_426 : vector<128x1xi32> to vector<128x2048xi32>
    %eq3A_434 = arith.cmpi eq, %iota3A, %eq3A_433 : vector<128x2048xi32>
    %jit3A_435 = arith.constant 0xFF800000 : f32
    %broadcast_in_dim3A_436 = vector.broadcast %jit3A_435 : f32 to vector<128x2048xf32>
    %select_n3A_437 = arith.select %eq3A_434, %broadcast_in_dim3A_436, %select_n3A_412 : vector<128x2048xi1>, vector<128x2048xf32>
    %slice3A_438 = vector.extract_strided_slice %dot_general3A_432 {offsets = [0, 0], sizes = [128, 1], strides = [1, 1]} : vector<128x3xf32> to vector<128x1xf32>
    %slice3A_439 = vector.extract_strided_slice %dot_general3A_432 {offsets = [0, 1], sizes = [128, 1], strides = [1, 1]} : vector<128x3xf32> to vector<128x1xf32>
    %slice3A_440 = vector.extract_strided_slice %dot_general3A_432 {offsets = [0, 2], sizes = [128, 1], strides = [1, 1]} : vector<128x3xf32> to vector<128x1xf32>
    %reduce_max3A_441 = arith.constant dense<0xFF800000> : vector<128xf32>
    %reduce_max3A_442 = vector.multi_reduction <maximumf>, %select_n3A_437, %reduce_max3A_441 [1] : vector<128x2048xf32> to vector<128xf32>
    %broadcast_in_dim3A_443 = vector.shape_cast %reduce_max3A_442 : vector<128xf32> to vector<128x1xf32>
    %eq3A_444 = vector.broadcast %broadcast_in_dim3A_443 : vector<128x1xf32> to vector<128x2048xf32>
    %eq3A_445 = arith.cmpf oeq, %select_n3A_437, %eq3A_444 : vector<128x2048xf32>
    %jit3A_446 = arith.constant 1073741824 : i32
    %broadcast_in_dim3A_447 = vector.broadcast %jit3A_446 : i32 to vector<128x2048xi32>
    %select_n3A_448 = arith.select %eq3A_445, %iota3A, %broadcast_in_dim3A_447 : vector<128x2048xi1>, vector<128x2048xi32>
    %reduce_min3A_449 = arith.constant dense<2147483647> : vector<128xi32>
    %reduce_min3A_450 = vector.multi_reduction <minsi>, %select_n3A_448, %reduce_min3A_449 [1] : vector<128x2048xi32> to vector<128xi32>
    %broadcast_in_dim3A_451 = vector.shape_cast %reduce_min3A_450 : vector<128xi32> to vector<128x1xi32>
    %eq3A_452 = vector.broadcast %broadcast_in_dim3A_451 : vector<128x1xi32> to vector<128x2048xi32>
    %eq3A_453 = arith.cmpi eq, %iota3A, %eq3A_452 : vector<128x2048xi32>
    %convert_element_type3A_454 = arith.extui %eq3A_453 : vector<128x2048xi1> to vector<128x2048xi32>
    %convert_element_type3A_455 = arith.sitofp %convert_element_type3A_454 : vector<128x2048xi32> to vector<128x2048xf32>
    %dot_general3A_456 = arith.constant dense<0.000000e+00> : vector<128x3xf32>
    %dot_general3A_457 = tpu.matmul %convert_element_type3A_455, %get3A_8, %dot_general3A_456 {dimension_numbers = #tpu.dot_dimension_numbers<[1], [0], [0], [1], [0, 0, 1, 1], [], []>, precision = #tpu.contract_precision<fp32>, transpose_lhs_hint = false} : vector<128x2048xf32>, vector<2048x3xf32>, vector<128x3xf32> -> vector<128x3xf32>
    %eq3A_458 = vector.broadcast %broadcast_in_dim3A_451 : vector<128x1xi32> to vector<128x2048xi32>
    %eq3A_459 = arith.cmpi eq, %iota3A, %eq3A_458 : vector<128x2048xi32>
    %jit3A_460 = arith.constant 0xFF800000 : f32
    %broadcast_in_dim3A_461 = vector.broadcast %jit3A_460 : f32 to vector<128x2048xf32>
    %select_n3A_462 = arith.select %eq3A_459, %broadcast_in_dim3A_461, %select_n3A_437 : vector<128x2048xi1>, vector<128x2048xf32>
    %slice3A_463 = vector.extract_strided_slice %dot_general3A_457 {offsets = [0, 0], sizes = [128, 1], strides = [1, 1]} : vector<128x3xf32> to vector<128x1xf32>
    %slice3A_464 = vector.extract_strided_slice %dot_general3A_457 {offsets = [0, 1], sizes = [128, 1], strides = [1, 1]} : vector<128x3xf32> to vector<128x1xf32>
    %slice3A_465 = vector.extract_strided_slice %dot_general3A_457 {offsets = [0, 2], sizes = [128, 1], strides = [1, 1]} : vector<128x3xf32> to vector<128x1xf32>
    %reduce_max3A_466 = arith.constant dense<0xFF800000> : vector<128xf32>
    %reduce_max3A_467 = vector.multi_reduction <maximumf>, %select_n3A_462, %reduce_max3A_466 [1] : vector<128x2048xf32> to vector<128xf32>
    %broadcast_in_dim3A_468 = vector.shape_cast %reduce_max3A_467 : vector<128xf32> to vector<128x1xf32>
    %eq3A_469 = vector.broadcast %broadcast_in_dim3A_468 : vector<128x1xf32> to vector<128x2048xf32>
    %eq3A_470 = arith.cmpf oeq, %select_n3A_462, %eq3A_469 : vector<128x2048xf32>
    %jit3A_471 = arith.constant 1073741824 : i32
    %broadcast_in_dim3A_472 = vector.broadcast %jit3A_471 : i32 to vector<128x2048xi32>
    %select_n3A_473 = arith.select %eq3A_470, %iota3A, %broadcast_in_dim3A_472 : vector<128x2048xi1>, vector<128x2048xi32>
    %reduce_min3A_474 = arith.constant dense<2147483647> : vector<128xi32>
    %reduce_min3A_475 = vector.multi_reduction <minsi>, %select_n3A_473, %reduce_min3A_474 [1] : vector<128x2048xi32> to vector<128xi32>
    %broadcast_in_dim3A_476 = vector.shape_cast %reduce_min3A_475 : vector<128xi32> to vector<128x1xi32>
    %eq3A_477 = vector.broadcast %broadcast_in_dim3A_476 : vector<128x1xi32> to vector<128x2048xi32>
    %eq3A_478 = arith.cmpi eq, %iota3A, %eq3A_477 : vector<128x2048xi32>
    %convert_element_type3A_479 = arith.extui %eq3A_478 : vector<128x2048xi1> to vector<128x2048xi32>
    %convert_element_type3A_480 = arith.sitofp %convert_element_type3A_479 : vector<128x2048xi32> to vector<128x2048xf32>
    %dot_general3A_481 = arith.constant dense<0.000000e+00> : vector<128x3xf32>
    %dot_general3A_482 = tpu.matmul %convert_element_type3A_480, %get3A_8, %dot_general3A_481 {dimension_numbers = #tpu.dot_dimension_numbers<[1], [0], [0], [1], [0, 0, 1, 1], [], []>, precision = #tpu.contract_precision<fp32>, transpose_lhs_hint = false} : vector<128x2048xf32>, vector<2048x3xf32>, vector<128x3xf32> -> vector<128x3xf32>
    %eq3A_483 = vector.broadcast %broadcast_in_dim3A_476 : vector<128x1xi32> to vector<128x2048xi32>
    %eq3A_484 = arith.cmpi eq, %iota3A, %eq3A_483 : vector<128x2048xi32>
    %jit3A_485 = arith.constant 0xFF800000 : f32
    %broadcast_in_dim3A_486 = vector.broadcast %jit3A_485 : f32 to vector<128x2048xf32>
    %select_n3A_487 = arith.select %eq3A_484, %broadcast_in_dim3A_486, %select_n3A_462 : vector<128x2048xi1>, vector<128x2048xf32>
    %slice3A_488 = vector.extract_strided_slice %dot_general3A_482 {offsets = [0, 0], sizes = [128, 1], strides = [1, 1]} : vector<128x3xf32> to vector<128x1xf32>
    %slice3A_489 = vector.extract_strided_slice %dot_general3A_482 {offsets = [0, 1], sizes = [128, 1], strides = [1, 1]} : vector<128x3xf32> to vector<128x1xf32>
    %slice3A_490 = vector.extract_strided_slice %dot_general3A_482 {offsets = [0, 2], sizes = [128, 1], strides = [1, 1]} : vector<128x3xf32> to vector<128x1xf32>
    %reduce_max3A_491 = arith.constant dense<0xFF800000> : vector<128xf32>
    %reduce_max3A_492 = vector.multi_reduction <maximumf>, %select_n3A_487, %reduce_max3A_491 [1] : vector<128x2048xf32> to vector<128xf32>
    %broadcast_in_dim3A_493 = vector.shape_cast %reduce_max3A_492 : vector<128xf32> to vector<128x1xf32>
    %eq3A_494 = vector.broadcast %broadcast_in_dim3A_493 : vector<128x1xf32> to vector<128x2048xf32>
    %eq3A_495 = arith.cmpf oeq, %select_n3A_487, %eq3A_494 : vector<128x2048xf32>
    %jit3A_496 = arith.constant 1073741824 : i32
    %broadcast_in_dim3A_497 = vector.broadcast %jit3A_496 : i32 to vector<128x2048xi32>
    %select_n3A_498 = arith.select %eq3A_495, %iota3A, %broadcast_in_dim3A_497 : vector<128x2048xi1>, vector<128x2048xi32>
    %reduce_min3A_499 = arith.constant dense<2147483647> : vector<128xi32>
    %reduce_min3A_500 = vector.multi_reduction <minsi>, %select_n3A_498, %reduce_min3A_499 [1] : vector<128x2048xi32> to vector<128xi32>
    %broadcast_in_dim3A_501 = vector.shape_cast %reduce_min3A_500 : vector<128xi32> to vector<128x1xi32>
    %eq3A_502 = vector.broadcast %broadcast_in_dim3A_501 : vector<128x1xi32> to vector<128x2048xi32>
    %eq3A_503 = arith.cmpi eq, %iota3A, %eq3A_502 : vector<128x2048xi32>
    %convert_element_type3A_504 = arith.extui %eq3A_503 : vector<128x2048xi1> to vector<128x2048xi32>
    %convert_element_type3A_505 = arith.sitofp %convert_element_type3A_504 : vector<128x2048xi32> to vector<128x2048xf32>
    %dot_general3A_506 = arith.constant dense<0.000000e+00> : vector<128x3xf32>
    %dot_general3A_507 = tpu.matmul %convert_element_type3A_505, %get3A_8, %dot_general3A_506 {dimension_numbers = #tpu.dot_dimension_numbers<[1], [0], [0], [1], [0, 0, 1, 1], [], []>, precision = #tpu.contract_precision<fp32>, transpose_lhs_hint = false} : vector<128x2048xf32>, vector<2048x3xf32>, vector<128x3xf32> -> vector<128x3xf32>
    %slice3A_508 = vector.extract_strided_slice %dot_general3A_507 {offsets = [0, 0], sizes = [128, 1], strides = [1, 1]} : vector<128x3xf32> to vector<128x1xf32>
    %slice3A_509 = vector.extract_strided_slice %dot_general3A_507 {offsets = [0, 1], sizes = [128, 1], strides = [1, 1]} : vector<128x3xf32> to vector<128x1xf32>
    %slice3A_510 = vector.extract_strided_slice %dot_general3A_507 {offsets = [0, 2], sizes = [128, 1], strides = [1, 1]} : vector<128x3xf32> to vector<128x1xf32>
    %concatenate3A = tpu.concatenate %broadcast_in_dim3A_28, %broadcast_in_dim3A_51, %broadcast_in_dim3A_76, %broadcast_in_dim3A_101, %broadcast_in_dim3A_126, %broadcast_in_dim3A_151, %broadcast_in_dim3A_176, %broadcast_in_dim3A_201, %broadcast_in_dim3A_226, %broadcast_in_dim3A_251, %broadcast_in_dim3A_276, %broadcast_in_dim3A_301, %broadcast_in_dim3A_326, %broadcast_in_dim3A_351, %broadcast_in_dim3A_376, %broadcast_in_dim3A_401, %broadcast_in_dim3A_426, %broadcast_in_dim3A_451, %broadcast_in_dim3A_476, %broadcast_in_dim3A_501 in 1 : vector<128x1xi32>, vector<128x1xi32>, vector<128x1xi32>, vector<128x1xi32>, vector<128x1xi32>, vector<128x1xi32>, vector<128x1xi32>, vector<128x1xi32>, vector<128x1xi32>, vector<128x1xi32>, vector<128x1xi32>, vector<128x1xi32>, vector<128x1xi32>, vector<128x1xi32>, vector<128x1xi32>, vector<128x1xi32>, vector<128x1xi32>, vector<128x1xi32>, vector<128x1xi32>, vector<128x1xi32> -> vector<128x20xi32>
    %concatenate3A_511 = tpu.concatenate %slice3A, %slice3A_63, %slice3A_88, %slice3A_113, %slice3A_138, %slice3A_163, %slice3A_188, %slice3A_213, %slice3A_238, %slice3A_263, %slice3A_288, %slice3A_313, %slice3A_338, %slice3A_363, %slice3A_388, %slice3A_413, %slice3A_438, %slice3A_463, %slice3A_488, %slice3A_508 in 1 : vector<128x1xf32>, vector<128x1xf32>, vector<128x1xf32>, vector<128x1xf32>, vector<128x1xf32>, vector<128x1xf32>, vector<128x1xf32>, vector<128x1xf32>, vector<128x1xf32>, vector<128x1xf32>, vector<128x1xf32>, vector<128x1xf32>, vector<128x1xf32>, vector<128x1xf32>, vector<128x1xf32>, vector<128x1xf32>, vector<128x1xf32>, vector<128x1xf32>, vector<128x1xf32>, vector<128x1xf32> -> vector<128x20xf32>
    %concatenate3A_512 = tpu.concatenate %slice3A_39, %slice3A_64, %slice3A_89, %slice3A_114, %slice3A_139, %slice3A_164, %slice3A_189, %slice3A_214, %slice3A_239, %slice3A_264, %slice3A_289, %slice3A_314, %slice3A_339, %slice3A_364, %slice3A_389, %slice3A_414, %slice3A_439, %slice3A_464, %slice3A_489, %slice3A_509 in 1 : vector<128x1xf32>, vector<128x1xf32>, vector<128x1xf32>, vector<128x1xf32>, vector<128x1xf32>, vector<128x1xf32>, vector<128x1xf32>, vector<128x1xf32>, vector<128x1xf32>, vector<128x1xf32>, vector<128x1xf32>, vector<128x1xf32>, vector<128x1xf32>, vector<128x1xf32>, vector<128x1xf32>, vector<128x1xf32>, vector<128x1xf32>, vector<128x1xf32>, vector<128x1xf32>, vector<128x1xf32> -> vector<128x20xf32>
    %concatenate3A_513 = tpu.concatenate %slice3A_40, %slice3A_65, %slice3A_90, %slice3A_115, %slice3A_140, %slice3A_165, %slice3A_190, %slice3A_215, %slice3A_240, %slice3A_265, %slice3A_290, %slice3A_315, %slice3A_340, %slice3A_365, %slice3A_390, %slice3A_415, %slice3A_440, %slice3A_465, %slice3A_490, %slice3A_510 in 1 : vector<128x1xf32>, vector<128x1xf32>, vector<128x1xf32>, vector<128x1xf32>, vector<128x1xf32>, vector<128x1xf32>, vector<128x1xf32>, vector<128x1xf32>, vector<128x1xf32>, vector<128x1xf32>, vector<128x1xf32>, vector<128x1xf32>, vector<128x1xf32>, vector<128x1xf32>, vector<128x1xf32>, vector<128x1xf32>, vector<128x1xf32>, vector<128x1xf32>, vector<128x1xf32>, vector<128x1xf32> -> vector<128x20xf32>
    %mul3A_514 = arith.constant 2048 : i32
    %mul3A_515 = arith.muli %arg0, %mul3A_514 : i32
    %add3A = vector.broadcast %mul3A_515 : i32 to vector<128x20xi32>
    %add3A_516 = arith.addi %concatenate3A, %add3A : vector<128x20xi32>
    %swap3A = arith.constant 0 : index
    %swap3A_517 = arith.constant 0 : index
    %swap3A_518 = arith.constant 0 : index
    %swap3A_519 = vector.load %arg4[%swap3A, %swap3A_517, %swap3A_518] : memref<1x128x20xi32, #tpu.memory_space<vmem>>, vector<1x128x20xi32>
    %swap3A_520 = vector.shape_cast %swap3A_519 : vector<1x128x20xi32> to vector<128x20xi32>
    %swap3A_521 = vector.shape_cast %add3A_516 : vector<128x20xi32> to vector<1x128x20xi32>
    tpu.vector_store %arg4[%swap3A, %swap3A_517, %swap3A_518], %swap3A_521 {strides = array<i32>} : memref<1x128x20xi32, #tpu.memory_space<vmem>>, vector<1x128x20xi32>,
    %swap3A_522 = arith.constant 0 : index
    %swap3A_523 = arith.constant 0 : index
    %swap3A_524 = arith.constant 0 : index
    %swap3A_525 = vector.load %arg5[%swap3A_522, %swap3A_523, %swap3A_524] : memref<1x128x20xf32, #tpu.memory_space<vmem>>, vector<1x128x20xf32>
    %swap3A_526 = vector.shape_cast %swap3A_525 : vector<1x128x20xf32> to vector<128x20xf32>
    %swap3A_527 = vector.shape_cast %concatenate3A_511 : vector<128x20xf32> to vector<1x128x20xf32>
    tpu.vector_store %arg5[%swap3A_522, %swap3A_523, %swap3A_524], %swap3A_527 {strides = array<i32>} : memref<1x128x20xf32, #tpu.memory_space<vmem>>, vector<1x128x20xf32>,
    %swap3A_528 = arith.constant 0 : index
    %swap3A_529 = arith.constant 0 : index
    %swap3A_530 = arith.constant 0 : index
    %swap3A_531 = vector.load %arg6[%swap3A_528, %swap3A_529, %swap3A_530] : memref<1x128x20xf32, #tpu.memory_space<vmem>>, vector<1x128x20xf32>
    %swap3A_532 = vector.shape_cast %swap3A_531 : vector<1x128x20xf32> to vector<128x20xf32>
    %swap3A_533 = vector.shape_cast %concatenate3A_512 : vector<128x20xf32> to vector<1x128x20xf32>
    tpu.vector_store %arg6[%swap3A_528, %swap3A_529, %swap3A_530], %swap3A_533 {strides = array<i32>} : memref<1x128x20xf32, #tpu.memory_space<vmem>>, vector<1x128x20xf32>,
    %swap3A_534 = arith.constant 0 : index
    %swap3A_535 = arith.constant 0 : index
    %swap3A_536 = arith.constant 0 : index
    %swap3A_537 = vector.load %arg7[%swap3A_534, %swap3A_535, %swap3A_536] : memref<1x128x20xf32, #tpu.memory_space<vmem>>, vector<1x128x20xf32>
    %swap3A_538 = vector.shape_cast %swap3A_537 : vector<1x128x20xf32> to vector<128x20xf32>
    %swap3A_539 = vector.shape_cast %concatenate3A_513 : vector<128x20xf32> to vector<1x128x20xf32>
    tpu.vector_store %arg7[%swap3A_534, %swap3A_535, %swap3A_536], %swap3A_539 {strides = array<i32>} : memref<1x128x20xf32, #tpu.memory_space<vmem>>, vector<1x128x20xf32>,
    %slice3A_540 = vector.extract_strided_slice %concatenate3A_511 {offsets = [0, 0], sizes = [128, 1], strides = [1, 1]} : vector<128x20xf32> to vector<128x1xf32>
    %sub3A_541 = vector.broadcast %slice3A_540 : vector<128x1xf32> to vector<128x20xf32>
    %sub3A_542 = arith.subf %concatenate3A_511, %sub3A_541 : vector<128x20xf32>
    %slice3A_543 = vector.extract_strided_slice %concatenate3A_512 {offsets = [0, 0], sizes = [128, 1], strides = [1, 1]} : vector<128x20xf32> to vector<128x1xf32>
    %sub3A_544 = vector.broadcast %slice3A_543 : vector<128x1xf32> to vector<128x20xf32>
    %sub3A_545 = arith.subf %concatenate3A_512, %sub3A_544 : vector<128x20xf32>
    %slice3A_546 = vector.extract_strided_slice %concatenate3A_513 {offsets = [0, 0], sizes = [128, 1], strides = [1, 1]} : vector<128x20xf32> to vector<128x1xf32>
    %sub3A_547 = vector.broadcast %slice3A_546 : vector<128x1xf32> to vector<128x20xf32>
    %sub3A_548 = arith.subf %concatenate3A_513, %sub3A_547 : vector<128x20xf32>
    %mul3A_549 = arith.mulf %sub3A_542, %sub3A_542 : vector<128x20xf32>
    %mul3A_550 = arith.mulf %sub3A_545, %sub3A_545 : vector<128x20xf32>
    %add3A_551 = arith.addf %mul3A_549, %mul3A_550 : vector<128x20xf32>
    %mul3A_552 = arith.mulf %sub3A_548, %sub3A_548 : vector<128x20xf32>
    %add3A_553 = arith.addf %add3A_551, %mul3A_552 : vector<128x20xf32>
    %sqrt3A = math.sqrt %add3A_553 : vector<128x20xf32>
    %slice3A_554 = vector.extract_strided_slice %concatenate3A_511 {offsets = [0, 0], sizes = [128, 1], strides = [1, 1]} : vector<128x20xf32> to vector<128x1xf32>
    %reduce_min3A_555 = vector.shape_cast %slice3A_554 : vector<128x1xf32> to vector<1x128x1xf32>
    %reduce_min3A_556 = arith.constant dense<0x7F800000> : vector<1xf32>
    %reduce_min3A_557 = vector.multi_reduction <minimumf>, %reduce_min3A_555, %reduce_min3A_556 [1, 2] : vector<1x128x1xf32> to vector<1xf32>
    %reduce_min3A_558 = vector.shape_cast %reduce_min3A_557 : vector<1xf32> to vector<1x1x1xf32>
    %reduce_min3A_559 = vector.extract %reduce_min3A_558[0, 0, 0] : f32 from vector<1x1x1xf32>
    %slice3A_560 = vector.extract_strided_slice %concatenate3A_512 {offsets = [0, 0], sizes = [128, 1], strides = [1, 1]} : vector<128x20xf32> to vector<128x1xf32>
    %reduce_min3A_561 = vector.shape_cast %slice3A_560 : vector<128x1xf32> to vector<1x128x1xf32>
    %reduce_min3A_562 = arith.constant dense<0x7F800000> : vector<1xf32>
    %reduce_min3A_563 = vector.multi_reduction <minimumf>, %reduce_min3A_561, %reduce_min3A_562 [1, 2] : vector<1x128x1xf32> to vector<1xf32>
    %reduce_min3A_564 = vector.shape_cast %reduce_min3A_563 : vector<1xf32> to vector<1x1x1xf32>
    %reduce_min3A_565 = vector.extract %reduce_min3A_564[0, 0, 0] : f32 from vector<1x1x1xf32>
    %min3A = arith.minimumf %reduce_min3A_559, %reduce_min3A_565 : f32
    %slice3A_566 = vector.extract_strided_slice %concatenate3A_513 {offsets = [0, 0], sizes = [128, 1], strides = [1, 1]} : vector<128x20xf32> to vector<128x1xf32>
    %reduce_min3A_567 = vector.shape_cast %slice3A_566 : vector<128x1xf32> to vector<1x128x1xf32>
    %reduce_min3A_568 = arith.constant dense<0x7F800000> : vector<1xf32>
    %reduce_min3A_569 = vector.multi_reduction <minimumf>, %reduce_min3A_567, %reduce_min3A_568 [1, 2] : vector<1x128x1xf32> to vector<1xf32>
    %reduce_min3A_570 = vector.shape_cast %reduce_min3A_569 : vector<1xf32> to vector<1x1x1xf32>
    %reduce_min3A_571 = vector.extract %reduce_min3A_570[0, 0, 0] : f32 from vector<1x1x1xf32>
    %reduce_min3A_572 = vector.shape_cast %sub3A_542 : vector<128x20xf32> to vector<1x128x20xf32>
    %reduce_min3A_573 = arith.constant dense<0x7F800000> : vector<1xf32>
    %reduce_min3A_574 = vector.multi_reduction <minimumf>, %reduce_min3A_572, %reduce_min3A_573 [1, 2] : vector<1x128x20xf32> to vector<1xf32>
    %reduce_min3A_575 = vector.shape_cast %reduce_min3A_574 : vector<1xf32> to vector<1x1x1xf32>
    %reduce_min3A_576 = vector.extract %reduce_min3A_575[0, 0, 0] : f32 from vector<1x1x1xf32>
    %min3A_577 = arith.minimumf %reduce_min3A_571, %reduce_min3A_576 : f32
    %min3A_578 = arith.minimumf %min3A, %min3A_577 : f32
    %reduce_min3A_579 = vector.shape_cast %sub3A_545 : vector<128x20xf32> to vector<1x128x20xf32>
    %reduce_min3A_580 = arith.constant dense<0x7F800000> : vector<1xf32>
    %reduce_min3A_581 = vector.multi_reduction <minimumf>, %reduce_min3A_579, %reduce_min3A_580 [1, 2] : vector<1x128x20xf32> to vector<1xf32>
    %reduce_min3A_582 = vector.shape_cast %reduce_min3A_581 : vector<1xf32> to vector<1x1x1xf32>
    %reduce_min3A_583 = vector.extract %reduce_min3A_582[0, 0, 0] : f32 from vector<1x1x1xf32>
    %reduce_min3A_584 = vector.shape_cast %sub3A_548 : vector<128x20xf32> to vector<1x128x20xf32>
    %reduce_min3A_585 = arith.constant dense<0x7F800000> : vector<1xf32>
    %reduce_min3A_586 = vector.multi_reduction <minimumf>, %reduce_min3A_584, %reduce_min3A_585 [1, 2] : vector<1x128x20xf32> to vector<1xf32>
    %reduce_min3A_587 = vector.shape_cast %reduce_min3A_586 : vector<1xf32> to vector<1x1x1xf32>
    %reduce_min3A_588 = vector.extract %reduce_min3A_587[0, 0, 0] : f32 from vector<1x1x1xf32>
    %min3A_589 = arith.minimumf %reduce_min3A_583, %reduce_min3A_588 : f32
    %reduce_min3A_590 = vector.shape_cast %sqrt3A : vector<128x20xf32> to vector<1x128x20xf32>
    %reduce_min3A_591 = arith.constant dense<0x7F800000> : vector<1xf32>
    %reduce_min3A_592 = vector.multi_reduction <minimumf>, %reduce_min3A_590, %reduce_min3A_591 [1, 2] : vector<1x128x20xf32> to vector<1xf32>
    %reduce_min3A_593 = vector.shape_cast %reduce_min3A_592 : vector<1xf32> to vector<1x1x1xf32>
    %reduce_min3A_594 = vector.extract %reduce_min3A_593[0, 0, 0] : f32 from vector<1x1x1xf32>
    %min3A_595 = arith.minimumf %min3A_589, %reduce_min3A_594 : f32
    %min3A_596 = arith.minimumf %min3A_578, %min3A_595 : f32
    %slice3A_597 = vector.extract_strided_slice %concatenate3A_511 {offsets = [0, 0], sizes = [128, 1], strides = [1, 1]} : vector<128x20xf32> to vector<128x1xf32>
    %reduce_max3A_598 = vector.shape_cast %slice3A_597 : vector<128x1xf32> to vector<1x128x1xf32>
    %reduce_max3A_599 = arith.constant dense<0xFF800000> : vector<1xf32>
    %reduce_max3A_600 = vector.multi_reduction <maximumf>, %reduce_max3A_598, %reduce_max3A_599 [1, 2] : vector<1x128x1xf32> to vector<1xf32>
    %reduce_max3A_601 = vector.shape_cast %reduce_max3A_600 : vector<1xf32> to vector<1x1x1xf32>
    %reduce_max3A_602 = vector.extract %reduce_max3A_601[0, 0, 0] : f32 from vector<1x1x1xf32>
    %slice3A_603 = vector.extract_strided_slice %concatenate3A_512 {offsets = [0, 0], sizes = [128, 1], strides = [1, 1]} : vector<128x20xf32> to vector<128x1xf32>
    %reduce_max3A_604 = vector.shape_cast %slice3A_603 : vector<128x1xf32> to vector<1x128x1xf32>
    %reduce_max3A_605 = arith.constant dense<0xFF800000> : vector<1xf32>
    %reduce_max3A_606 = vector.multi_reduction <maximumf>, %reduce_max3A_604, %reduce_max3A_605 [1, 2] : vector<1x128x1xf32> to vector<1xf32>
    %reduce_max3A_607 = vector.shape_cast %reduce_max3A_606 : vector<1xf32> to vector<1x1x1xf32>
    %reduce_max3A_608 = vector.extract %reduce_max3A_607[0, 0, 0] : f32 from vector<1x1x1xf32>
    %max3A = arith.maximumf %reduce_max3A_602, %reduce_max3A_608 : f32
    %slice3A_609 = vector.extract_strided_slice %concatenate3A_513 {offsets = [0, 0], sizes = [128, 1], strides = [1, 1]} : vector<128x20xf32> to vector<128x1xf32>
    %reduce_max3A_610 = vector.shape_cast %slice3A_609 : vector<128x1xf32> to vector<1x128x1xf32>
    %reduce_max3A_611 = arith.constant dense<0xFF800000> : vector<1xf32>
    %reduce_max3A_612 = vector.multi_reduction <maximumf>, %reduce_max3A_610, %reduce_max3A_611 [1, 2] : vector<1x128x1xf32> to vector<1xf32>
    %reduce_max3A_613 = vector.shape_cast %reduce_max3A_612 : vector<1xf32> to vector<1x1x1xf32>
    %reduce_max3A_614 = vector.extract %reduce_max3A_613[0, 0, 0] : f32 from vector<1x1x1xf32>
    %reduce_max3A_615 = vector.shape_cast %sub3A_542 : vector<128x20xf32> to vector<1x128x20xf32>
    %reduce_max3A_616 = arith.constant dense<0xFF800000> : vector<1xf32>
    %reduce_max3A_617 = vector.multi_reduction <maximumf>, %reduce_max3A_615, %reduce_max3A_616 [1, 2] : vector<1x128x20xf32> to vector<1xf32>
    %reduce_max3A_618 = vector.shape_cast %reduce_max3A_617 : vector<1xf32> to vector<1x1x1xf32>
    %reduce_max3A_619 = vector.extract %reduce_max3A_618[0, 0, 0] : f32 from vector<1x1x1xf32>
    %max3A_620 = arith.maximumf %reduce_max3A_614, %reduce_max3A_619 : f32
    %max3A_621 = arith.maximumf %max3A, %max3A_620 : f32
    %reduce_max3A_622 = vector.shape_cast %sub3A_545 : vector<128x20xf32> to vector<1x128x20xf32>
    %reduce_max3A_623 = arith.constant dense<0xFF800000> : vector<1xf32>
    %reduce_max3A_624 = vector.multi_reduction <maximumf>, %reduce_max3A_622, %reduce_max3A_623 [1, 2] : vector<1x128x20xf32> to vector<1xf32>
    %reduce_max3A_625 = vector.shape_cast %reduce_max3A_624 : vector<1xf32> to vector<1x1x1xf32>
    %reduce_max3A_626 = vector.extract %reduce_max3A_625[0, 0, 0] : f32 from vector<1x1x1xf32>
    %reduce_max3A_627 = vector.shape_cast %sub3A_548 : vector<128x20xf32> to vector<1x128x20xf32>
    %reduce_max3A_628 = arith.constant dense<0xFF800000> : vector<1xf32>
    %reduce_max3A_629 = vector.multi_reduction <maximumf>, %reduce_max3A_627, %reduce_max3A_628 [1, 2] : vector<1x128x20xf32> to vector<1xf32>
    %reduce_max3A_630 = vector.shape_cast %reduce_max3A_629 : vector<1xf32> to vector<1x1x1xf32>
    %reduce_max3A_631 = vector.extract %reduce_max3A_630[0, 0, 0] : f32 from vector<1x1x1xf32>
    %max3A_632 = arith.maximumf %reduce_max3A_626, %reduce_max3A_631 : f32
    %reduce_max3A_633 = vector.shape_cast %sqrt3A : vector<128x20xf32> to vector<1x128x20xf32>
    %reduce_max3A_634 = arith.constant dense<0xFF800000> : vector<1xf32>
    %reduce_max3A_635 = vector.multi_reduction <maximumf>, %reduce_max3A_633, %reduce_max3A_634 [1, 2] : vector<1x128x20xf32> to vector<1xf32>
    %reduce_max3A_636 = vector.shape_cast %reduce_max3A_635 : vector<1xf32> to vector<1x1x1xf32>
    %reduce_max3A_637 = vector.extract %reduce_max3A_636[0, 0, 0] : f32 from vector<1x1x1xf32>
    %max3A_638 = arith.maximumf %max3A_632, %reduce_max3A_637 : f32
    %max3A_639 = arith.maximumf %max3A_621, %max3A_638 : f32
    %broadcast_in_dim3A_640 = vector.broadcast %min3A_596 : f32 to vector<1x128xf32>
    %swap3A_641 = arith.constant 0 : index
    %swap3A_642 = arith.constant 0 : index
    %swap3A_643 = arith.constant 0 : index
    %swap3A_644 = arith.constant 0 : index
    %swap3A_645 = vector.load %arg8[%swap3A_641, %swap3A_642, %swap3A_643, %swap3A_644] : memref<1x1x1x128xf32, #tpu.memory_space<vmem>>, vector<1x1x1x128xf32>
    %swap3A_646 = vector.shape_cast %swap3A_645 : vector<1x1x1x128xf32> to vector<1x128xf32>
    %swap3A_647 = vector.shape_cast %broadcast_in_dim3A_640 : vector<1x128xf32> to vector<1x1x1x128xf32>
    tpu.vector_store %arg8[%swap3A_641, %swap3A_642, %swap3A_643, %swap3A_644], %swap3A_647 {strides = array<i32>} : memref<1x1x1x128xf32, #tpu.memory_space<vmem>>, vector<1x1x1x128xf32>,
    %broadcast_in_dim3A_648 = vector.broadcast %max3A_639 : f32 to vector<1x128xf32>
    %swap3A_649 = arith.constant 0 : index
    %swap3A_650 = arith.constant 0 : index
    %swap3A_651 = arith.constant 0 : index
    %swap3A_652 = arith.constant 0 : index
    %swap3A_653 = vector.load %arg9[%swap3A_649, %swap3A_650, %swap3A_651, %swap3A_652] : memref<1x1x1x128xf32, #tpu.memory_space<vmem>>, vector<1x1x1x128xf32>
    %swap3A_654 = vector.shape_cast %swap3A_653 : vector<1x1x1x128xf32> to vector<1x128xf32>
    %swap3A_655 = vector.shape_cast %broadcast_in_dim3A_648 : vector<1x128xf32> to vector<1x1x1x128xf32>
    tpu.vector_store %arg9[%swap3A_649, %swap3A_650, %swap3A_651, %swap3A_652], %swap3A_655 {strides = array<i32>} : memref<1x1x1x128xf32, #tpu.memory_space<vmem>>, vector<1x1x1x128xf32>,
    return
  }
  func.func @transform_0(%arg0: i32, %arg1: i32) -> (i32, i32, i32) {
    %c0_i32 = arith.constant 0 : i32
    %c0_i32_0 = arith.constant 0 : i32
    return %arg0, %arg1, %c0_i32 : i32, i32, i32
  }
  func.func @transform_1(%arg0: i32, %arg1: i32) -> (i32, i32, i32) {
    %c0_i32 = arith.constant 0 : i32
    %c0_i32_0 = arith.constant 0 : i32
    %c0_i32_1 = arith.constant 0 : i32
    return %arg0, %c0_i32, %c0_i32_0 : i32, i32, i32
  }
  func.func @transform_2(%arg0: i32, %arg1: i32) -> (i32, i32, i32) {
    %c0_i32 = arith.constant 0 : i32
    %c0_i32_0 = arith.constant 0 : i32
    return %arg0, %arg1, %c0_i32 : i32, i32, i32
  }
  func.func @transform_3(%arg0: i32, %arg1: i32) -> (i32, i32, i32) {
    %c0_i32 = arith.constant 0 : i32
    %c0_i32_0 = arith.constant 0 : i32
    return %arg0, %arg1, %c0_i32 : i32, i32, i32
  }
  func.func @transform_4(%arg0: i32, %arg1: i32) -> (i32, i32, i32) {
    %c0_i32 = arith.constant 0 : i32
    %c0_i32_0 = arith.constant 0 : i32
    return %arg0, %arg1, %c0_i32 : i32, i32, i32
  }
  func.func @transform_5(%arg0: i32, %arg1: i32) -> (i32, i32, i32) {
    %c0_i32 = arith.constant 0 : i32
    %c0_i32_0 = arith.constant 0 : i32
    return %arg0, %arg1, %c0_i32 : i32, i32, i32
  }
  func.func @transform_6(%arg0: i32, %arg1: i32) -> (i32, i32, i32, i32) {
    %c0_i32 = arith.constant 0 : i32
    %c0_i32_0 = arith.constant 0 : i32
    %c0_i32_1 = arith.constant 0 : i32
    return %arg0, %arg1, %c0_i32, %c0_i32_0 : i32, i32, i32, i32
  }
  func.func @transform_7(%arg0: i32, %arg1: i32) -> (i32, i32, i32, i32) {
    %c0_i32 = arith.constant 0 : i32
    %c0_i32_0 = arith.constant 0 : i32
    %c0_i32_1 = arith.constant 0 : i32
    return %arg0, %arg1, %c0_i32, %c0_i32_0 : i32, i32, i32, i32
  }
}

module attributes {stable_mosaic.version = 14 : i64} {
  func.func @_dense_body(%arg0: i32, %arg1: i32, %arg2: memref<1x128x20x128xf32, #tpu.memory_space<vmem>>, %arg3: memref<1x128x20xf32, #tpu.memory_space<vmem>>, %arg4: memref<1x128x20xf32, #tpu.memory_space<vmem>>, %arg5: memref<1x128x20xf32, #tpu.memory_space<vmem>>, %arg6: memref<1x64x128xf32, #tpu.memory_space<vmem>>, %arg7: memref<1x1xf32, #tpu.memory_space<vmem>>, %arg8: memref<7x32xf32, #tpu.memory_space<vmem>>, %arg9: memref<3x20xf32, #tpu.memory_space<vmem>>, %arg10: memref<20x20xf32, #tpu.memory_space<vmem>>, %arg11: memref<32x64xf32, #tpu.memory_space<vmem>>, %arg12: memref<1x32xf32, #tpu.memory_space<vmem>>, %arg13: memref<64x96xf32, #tpu.memory_space<vmem>>, %arg14: memref<64x96xf32, #tpu.memory_space<vmem>>, %arg15: memref<1x64xf32, #tpu.memory_space<vmem>>, %arg16: memref<64x64xf32, #tpu.memory_space<vmem>>, %arg17: memref<1x64x128xf32, #tpu.memory_space<vmem>>) attributes {dimension_semantics = [#tpu.dimension_semantics<arbitrary>, #tpu.dimension_semantics<arbitrary>], iteration_bounds = array<i64: 8, 16>, scalar_prefetch = 0 : i64, scratch_operands = 0 : i64, tpu.core_type = #tpu.core_type<tc>, window_params = [{transform_indices = @transform_0, window_bounds = array<i64: 1, 128, 20, 128>}, {transform_indices = @transform_1, window_bounds = array<i64: 1, 128, 20>}, {transform_indices = @transform_2, window_bounds = array<i64: 1, 128, 20>}, {transform_indices = @transform_3, window_bounds = array<i64: 1, 128, 20>}, {transform_indices = @transform_4, window_bounds = array<i64: 1, 64, 128>}, {pipeline_mode = #tpu.pipeline_mode<synchronous>, transform_indices = @transform_5, window_bounds = array<i64: 1, 1>}, {pipeline_mode = #tpu.pipeline_mode<synchronous>, transform_indices = @transform_6, window_bounds = array<i64: 7, 32>}, {pipeline_mode = #tpu.pipeline_mode<synchronous>, transform_indices = @transform_7, window_bounds = array<i64: 3, 20>}, {pipeline_mode = #tpu.pipeline_mode<synchronous>, transform_indices = @transform_8, window_bounds = array<i64: 20, 20>}, {pipeline_mode = #tpu.pipeline_mode<synchronous>, transform_indices = @transform_9, window_bounds = array<i64: 32, 64>}, {pipeline_mode = #tpu.pipeline_mode<synchronous>, transform_indices = @transform_10, window_bounds = array<i64: 1, 32>}, {pipeline_mode = #tpu.pipeline_mode<synchronous>, transform_indices = @transform_11, window_bounds = array<i64: 64, 96>}, {pipeline_mode = #tpu.pipeline_mode<synchronous>, transform_indices = @transform_12, window_bounds = array<i64: 64, 96>}, {pipeline_mode = #tpu.pipeline_mode<synchronous>, transform_indices = @transform_13, window_bounds = array<i64: 1, 64>}, {pipeline_mode = #tpu.pipeline_mode<synchronous>, transform_indices = @transform_14, window_bounds = array<i64: 64, 64>}, {transform_indices = @transform_15, window_bounds = array<i64: 1, 64, 128>}]} {
    %get3A = arith.constant 0 : index
    %get3A_0 = arith.constant 0 : index
    %get3A_1 = arith.constant 0 : index
    %get3A_2 = arith.constant 0 : index
    %get3A_3 = vector.load %arg2[%get3A, %get3A_0, %get3A_1, %get3A_2] : memref<1x128x20x128xf32, #tpu.memory_space<vmem>>, vector<1x128x20x128xf32>
    %get3A_4 = vector.shape_cast %get3A_3 : vector<1x128x20x128xf32> to vector<128x20x128xf32>
    %slice3A = vector.extract_strided_slice %get3A_4 {offsets = [0, 0, 0], sizes = [128, 20, 64], strides = [1, 1, 1]} : vector<128x20x128xf32> to vector<128x20x64xf32>
    %slice3A_5 = vector.extract_strided_slice %slice3A {offsets = [0, 0, 0], sizes = [128, 1, 64], strides = [1, 1, 1]} : vector<128x20x64xf32> to vector<128x1x64xf32>
    %squeeze3A = vector.shape_cast %slice3A_5 : vector<128x1x64xf32> to vector<128x64xf32>
    %get3A_6 = arith.constant 0 : index
    %get3A_7 = arith.constant 0 : index
    %get3A_8 = arith.constant 0 : index
    %get3A_9 = vector.load %arg3[%get3A_6, %get3A_7, %get3A_8] : memref<1x128x20xf32, #tpu.memory_space<vmem>>, vector<1x128x20xf32>
    %get3A_10 = vector.shape_cast %get3A_9 : vector<1x128x20xf32> to vector<128x20xf32>
    %get3A_11 = arith.constant 0 : index
    %get3A_12 = arith.constant 0 : index
    %get3A_13 = arith.constant 0 : index
    %get3A_14 = vector.load %arg4[%get3A_11, %get3A_12, %get3A_13] : memref<1x128x20xf32, #tpu.memory_space<vmem>>, vector<1x128x20xf32>
    %get3A_15 = vector.shape_cast %get3A_14 : vector<1x128x20xf32> to vector<128x20xf32>
    %get3A_16 = arith.constant 0 : index
    %get3A_17 = arith.constant 0 : index
    %get3A_18 = arith.constant 0 : index
    %get3A_19 = vector.load %arg5[%get3A_16, %get3A_17, %get3A_18] : memref<1x128x20xf32, #tpu.memory_space<vmem>>, vector<1x128x20xf32>
    %get3A_20 = vector.shape_cast %get3A_19 : vector<1x128x20xf32> to vector<128x20xf32>
    %slice3A_21 = vector.extract_strided_slice %get3A_10 {offsets = [0, 0], sizes = [128, 1], strides = [1, 1]} : vector<128x20xf32> to vector<128x1xf32>
    %sub3A = vector.broadcast %slice3A_21 : vector<128x1xf32> to vector<128x20xf32>
    %sub3A_22 = arith.subf %get3A_10, %sub3A : vector<128x20xf32>
    %slice3A_23 = vector.extract_strided_slice %get3A_15 {offsets = [0, 0], sizes = [128, 1], strides = [1, 1]} : vector<128x20xf32> to vector<128x1xf32>
    %sub3A_24 = vector.broadcast %slice3A_23 : vector<128x1xf32> to vector<128x20xf32>
    %sub3A_25 = arith.subf %get3A_15, %sub3A_24 : vector<128x20xf32>
    %slice3A_26 = vector.extract_strided_slice %get3A_20 {offsets = [0, 0], sizes = [128, 1], strides = [1, 1]} : vector<128x20xf32> to vector<128x1xf32>
    %sub3A_27 = vector.broadcast %slice3A_26 : vector<128x1xf32> to vector<128x20xf32>
    %sub3A_28 = arith.subf %get3A_20, %sub3A_27 : vector<128x20xf32>
    %mul3A = arith.mulf %sub3A_22, %sub3A_22 : vector<128x20xf32>
    %mul3A_29 = arith.mulf %sub3A_25, %sub3A_25 : vector<128x20xf32>
    %add3A = arith.addf %mul3A, %mul3A_29 : vector<128x20xf32>
    %mul3A_30 = arith.mulf %sub3A_28, %sub3A_28 : vector<128x20xf32>
    %add3A_31 = arith.addf %add3A, %mul3A_30 : vector<128x20xf32>
    %sqrt3A = math.sqrt %add3A_31 : vector<128x20xf32>
    %get3A_32 = arith.constant 0 : index
    %get3A_33 = arith.constant 0 : index
    %get3A_34 = vector.load %arg7[%get3A_32, %get3A_33] : memref<1x1xf32, #tpu.memory_space<vmem>>, vector<1x1xf32>
    %get3A_35 = vector.extract %get3A_34[0, 0] : f32 from vector<1x1xf32>
    %slice3A_36 = vector.extract_strided_slice %get3A_10 {offsets = [0, 0], sizes = [128, 1], strides = [1, 1]} : vector<128x20xf32> to vector<128x1xf32>
    %broadcast_in_dim3A = vector.shape_cast %slice3A_36 : vector<128x1xf32> to vector<128x1xf32>
    %broadcast_in_dim3A_37 = vector.broadcast %broadcast_in_dim3A : vector<128x1xf32> to vector<128x20xf32>
    %sub3A_38 = vector.broadcast %get3A_35 : f32 to vector<128x20xf32>
    %sub3A_39 = arith.subf %broadcast_in_dim3A_37, %sub3A_38 : vector<128x20xf32>
    %mul3A_40 = arith.constant 6.28318548 : f32
    %mul3A_41 = vector.broadcast %mul3A_40 : f32 to vector<128x20xf32>
    %mul3A_42 = arith.mulf %mul3A_41, %sub3A_39 : vector<128x20xf32>
    %slice3A_43 = vector.extract_strided_slice %get3A_15 {offsets = [0, 0], sizes = [128, 1], strides = [1, 1]} : vector<128x20xf32> to vector<128x1xf32>
    %broadcast_in_dim3A_44 = vector.shape_cast %slice3A_43 : vector<128x1xf32> to vector<128x1xf32>
    %broadcast_in_dim3A_45 = vector.broadcast %broadcast_in_dim3A_44 : vector<128x1xf32> to vector<128x20xf32>
    %sub3A_46 = vector.broadcast %get3A_35 : f32 to vector<128x20xf32>
    %sub3A_47 = arith.subf %broadcast_in_dim3A_45, %sub3A_46 : vector<128x20xf32>
    %mul3A_48 = arith.constant 6.28318548 : f32
    %mul3A_49 = vector.broadcast %mul3A_48 : f32 to vector<128x20xf32>
    %mul3A_50 = arith.mulf %mul3A_49, %sub3A_47 : vector<128x20xf32>
    %slice3A_51 = vector.extract_strided_slice %get3A_20 {offsets = [0, 0], sizes = [128, 1], strides = [1, 1]} : vector<128x20xf32> to vector<128x1xf32>
    %broadcast_in_dim3A_52 = vector.shape_cast %slice3A_51 : vector<128x1xf32> to vector<128x1xf32>
    %broadcast_in_dim3A_53 = vector.broadcast %broadcast_in_dim3A_52 : vector<128x1xf32> to vector<128x20xf32>
    %sub3A_54 = vector.broadcast %get3A_35 : f32 to vector<128x20xf32>
    %sub3A_55 = arith.subf %broadcast_in_dim3A_53, %sub3A_54 : vector<128x20xf32>
    %mul3A_56 = arith.constant 6.28318548 : f32
    %mul3A_57 = vector.broadcast %mul3A_56 : f32 to vector<128x20xf32>
    %mul3A_58 = arith.mulf %mul3A_57, %sub3A_55 : vector<128x20xf32>
    %sub3A_59 = vector.broadcast %get3A_35 : f32 to vector<128x20xf32>
    %sub3A_60 = arith.subf %sub3A_22, %sub3A_59 : vector<128x20xf32>
    %mul3A_61 = arith.constant 6.28318548 : f32
    %mul3A_62 = vector.broadcast %mul3A_61 : f32 to vector<128x20xf32>
    %mul3A_63 = arith.mulf %mul3A_62, %sub3A_60 : vector<128x20xf32>
    %sub3A_64 = vector.broadcast %get3A_35 : f32 to vector<128x20xf32>
    %sub3A_65 = arith.subf %sub3A_25, %sub3A_64 : vector<128x20xf32>
    %mul3A_66 = arith.constant 6.28318548 : f32
    %mul3A_67 = vector.broadcast %mul3A_66 : f32 to vector<128x20xf32>
    %mul3A_68 = arith.mulf %mul3A_67, %sub3A_65 : vector<128x20xf32>
    %sub3A_69 = vector.broadcast %get3A_35 : f32 to vector<128x20xf32>
    %sub3A_70 = arith.subf %sub3A_28, %sub3A_69 : vector<128x20xf32>
    %mul3A_71 = arith.constant 6.28318548 : f32
    %mul3A_72 = vector.broadcast %mul3A_71 : f32 to vector<128x20xf32>
    %mul3A_73 = arith.mulf %mul3A_72, %sub3A_70 : vector<128x20xf32>
    %sub3A_74 = vector.broadcast %get3A_35 : f32 to vector<128x20xf32>
    %sub3A_75 = arith.subf %sqrt3A, %sub3A_74 : vector<128x20xf32>
    %mul3A_76 = arith.constant 6.28318548 : f32
    %mul3A_77 = vector.broadcast %mul3A_76 : f32 to vector<128x20xf32>
    %mul3A_78 = arith.mulf %mul3A_77, %sub3A_75 : vector<128x20xf32>
    %broadcast_in_dim3A_79 = vector.shape_cast %mul3A_42 : vector<128x20xf32> to vector<128x20x1xf32>
    %broadcast_in_dim3A_80 = vector.shape_cast %mul3A_50 : vector<128x20xf32> to vector<128x20x1xf32>
    %broadcast_in_dim3A_81 = vector.shape_cast %mul3A_58 : vector<128x20xf32> to vector<128x20x1xf32>
    %broadcast_in_dim3A_82 = vector.shape_cast %mul3A_63 : vector<128x20xf32> to vector<128x20x1xf32>
    %broadcast_in_dim3A_83 = vector.shape_cast %mul3A_68 : vector<128x20xf32> to vector<128x20x1xf32>
    %broadcast_in_dim3A_84 = vector.shape_cast %mul3A_73 : vector<128x20xf32> to vector<128x20x1xf32>
    %broadcast_in_dim3A_85 = vector.shape_cast %mul3A_78 : vector<128x20xf32> to vector<128x20x1xf32>
    %concatenate3A = tpu.concatenate %broadcast_in_dim3A_79, %broadcast_in_dim3A_80, %broadcast_in_dim3A_81, %broadcast_in_dim3A_82, %broadcast_in_dim3A_83, %broadcast_in_dim3A_84, %broadcast_in_dim3A_85 in 2 : vector<128x20x1xf32>, vector<128x20x1xf32>, vector<128x20x1xf32>, vector<128x20x1xf32>, vector<128x20x1xf32>, vector<128x20x1xf32>, vector<128x20x1xf32> -> vector<128x20x7xf32>
    %reshape3A = vector.shape_cast %concatenate3A : vector<128x20x7xf32> to vector<2560x7xf32>
    %get3A_86 = arith.constant 0 : index
    %get3A_87 = arith.constant 0 : index
    %get3A_88 = vector.load %arg8[%get3A_86, %get3A_87] : memref<7x32xf32, #tpu.memory_space<vmem>>, vector<7x32xf32>
    %dot_general3A = arith.constant dense<0.000000e+00> : vector<2560x32xf32>
    %dot_general3A_89 = tpu.matmul %reshape3A, %get3A_88, %dot_general3A {dimension_numbers = #tpu.dot_dimension_numbers<[1], [0], [0], [1], [0, 0, 1, 1], [], []>, transpose_lhs_hint = false} : vector<2560x7xf32>, vector<7x32xf32>, vector<2560x32xf32> -> vector<2560x32xf32>
    %sin3A = math.sin %dot_general3A_89 : vector<2560x32xf32>
    %cos3A = math.cos %dot_general3A_89 : vector<2560x32xf32>
    %concatenate3A_90 = tpu.concatenate %sin3A, %cos3A in 1 : vector<2560x32xf32>, vector<2560x32xf32> -> vector<2560x64xf32>
    %get3A_91 = arith.constant 0 : index
    %get3A_92 = arith.constant 0 : index
    %get3A_93 = vector.load %arg11[%get3A_91, %get3A_92] : memref<32x64xf32, #tpu.memory_space<vmem>>, vector<32x64xf32>
    %dot_general3A_94 = arith.constant dense<0.000000e+00> : vector<2560x32xf32>
    %dot_general3A_95 = tpu.matmul %concatenate3A_90, %get3A_93, %dot_general3A_94 {dimension_numbers = #tpu.dot_dimension_numbers<[1], [1], [0], [0], [0, 0, 1, 0], [], []>, transpose_lhs_hint = false} : vector<2560x64xf32>, vector<32x64xf32>, vector<2560x32xf32> -> vector<2560x32xf32>
    %get3A_96 = arith.constant 0 : index
    %get3A_97 = arith.constant 0 : index
    %get3A_98 = vector.load %arg12[%get3A_96, %get3A_97] : memref<1x32xf32, #tpu.memory_space<vmem>>, vector<1x32xf32>
    %get3A_99 = vector.shape_cast %get3A_98 : vector<1x32xf32> to vector<32xf32>
    %broadcast_in_dim3A_100 = vector.shape_cast %get3A_99 : vector<32xf32> to vector<1x32xf32>
    %add3A_101 = vector.broadcast %broadcast_in_dim3A_100 : vector<1x32xf32> to vector<2560x32xf32>
    %add3A_102 = arith.addf %dot_general3A_95, %add3A_101 : vector<2560x32xf32>
    %reshape3A_103 = vector.shape_cast %slice3A : vector<128x20x64xf32> to vector<2560x64xf32>
    %concatenate3A_104 = tpu.concatenate %reshape3A_103, %add3A_102 in 1 : vector<2560x64xf32>, vector<2560x32xf32> -> vector<2560x96xf32>
    %reshape3A_105 = vector.shape_cast %add3A_102 : vector<2560x32xf32> to vector<128x20x32xf32>
    %slice3A_106 = vector.extract_strided_slice %reshape3A_105 {offsets = [0, 0, 0], sizes = [128, 1, 32], strides = [1, 1, 1]} : vector<128x20x32xf32> to vector<128x1x32xf32>
    %squeeze3A_107 = vector.shape_cast %slice3A_106 : vector<128x1x32xf32> to vector<128x32xf32>
    %concatenate3A_108 = tpu.concatenate %squeeze3A, %squeeze3A_107 in 1 : vector<128x64xf32>, vector<128x32xf32> -> vector<128x96xf32>
    %get3A_109 = arith.constant 0 : index
    %get3A_110 = arith.constant 0 : index
    %get3A_111 = vector.load %arg13[%get3A_109, %get3A_110] : memref<64x96xf32, #tpu.memory_space<vmem>>, vector<64x96xf32>
    %dot_general3A_112 = arith.constant dense<0.000000e+00> : vector<2560x64xf32>
    %dot_general3A_113 = tpu.matmul %concatenate3A_104, %get3A_111, %dot_general3A_112 {dimension_numbers = #tpu.dot_dimension_numbers<[1], [1], [0], [0], [0, 0, 1, 0], [], []>, transpose_lhs_hint = false} : vector<2560x96xf32>, vector<64x96xf32>, vector<2560x64xf32> -> vector<2560x64xf32>
    %get3A_114 = arith.constant 0 : index
    %get3A_115 = arith.constant 0 : index
    %get3A_116 = vector.load %arg14[%get3A_114, %get3A_115] : memref<64x96xf32, #tpu.memory_space<vmem>>, vector<64x96xf32>
    %dot_general3A_117 = arith.constant dense<0.000000e+00> : vector<128x64xf32>
    %dot_general3A_118 = tpu.matmul %concatenate3A_108, %get3A_116, %dot_general3A_117 {dimension_numbers = #tpu.dot_dimension_numbers<[1], [1], [0], [0], [0, 0, 1, 0], [], []>, transpose_lhs_hint = false} : vector<128x96xf32>, vector<64x96xf32>, vector<128x64xf32> -> vector<128x64xf32>
    %reshape3A_119 = vector.shape_cast %dot_general3A_113 : vector<2560x64xf32> to vector<128x20x64xf32>
    %broadcast_in_dim3A_120 = vector.shape_cast %dot_general3A_118 : vector<128x64xf32> to vector<128x1x64xf32>
    %add3A_121 = vector.broadcast %broadcast_in_dim3A_120 : vector<128x1x64xf32> to vector<128x20x64xf32>
    %add3A_122 = arith.addf %reshape3A_119, %add3A_121 : vector<128x20x64xf32>
    %broadcast_in_dim3A_123 = vector.shape_cast %sub3A_22 : vector<128x20xf32> to vector<128x20x1xf32>
    %broadcast_in_dim3A_124 = vector.shape_cast %sub3A_25 : vector<128x20xf32> to vector<128x20x1xf32>
    %broadcast_in_dim3A_125 = vector.shape_cast %sub3A_28 : vector<128x20xf32> to vector<128x20x1xf32>
    %concatenate3A_126 = tpu.concatenate %broadcast_in_dim3A_123, %broadcast_in_dim3A_124, %broadcast_in_dim3A_125 in 2 : vector<128x20x1xf32>, vector<128x20x1xf32>, vector<128x20x1xf32> -> vector<128x20x3xf32>
    %reshape3A_127 = vector.shape_cast %concatenate3A_126 : vector<128x20x3xf32> to vector<2560x3xf32>
    %get3A_128 = arith.constant 0 : index
    %get3A_129 = arith.constant 0 : index
    %get3A_130 = vector.load %arg9[%get3A_128, %get3A_129] : memref<3x20xf32, #tpu.memory_space<vmem>>, vector<3x20xf32>
    %dot_general3A_131 = arith.constant dense<0.000000e+00> : vector<2560x20xf32>
    %dot_general3A_132 = tpu.matmul %reshape3A_127, %get3A_130, %dot_general3A_131 {dimension_numbers = #tpu.dot_dimension_numbers<[1], [0], [0], [1], [0, 0, 1, 1], [], []>, transpose_lhs_hint = false} : vector<2560x3xf32>, vector<3x20xf32>, vector<2560x20xf32> -> vector<2560x20xf32>
    %reshape3A_133 = vector.shape_cast %dot_general3A_132 : vector<2560x20xf32> to vector<128x20x20xf32>
    %get3A_134 = arith.constant 0 : index
    %get3A_135 = arith.constant 0 : index
    %get3A_136 = vector.load %arg10[%get3A_134, %get3A_135] : memref<20x20xf32, #tpu.memory_space<vmem>>, vector<20x20xf32>
    %broadcast_in_dim3A_137 = vector.shape_cast %get3A_136 : vector<20x20xf32> to vector<1x20x20xf32>
    %add3A_138 = vector.broadcast %broadcast_in_dim3A_137 : vector<1x20x20xf32> to vector<128x20x20xf32>
    %add3A_139 = arith.addf %reshape3A_133, %add3A_138 : vector<128x20x20xf32>
    %reduce_max3A = arith.constant dense<0xFF800000> : vector<128x20xf32>
    %reduce_max3A_140 = vector.multi_reduction <maximumf>, %add3A_139, %reduce_max3A [1] : vector<128x20x20xf32> to vector<128x20xf32>
    %broadcast_in_dim3A_141 = vector.shape_cast %reduce_max3A_140 : vector<128x20xf32> to vector<128x1x20xf32>
    %sub3A_142 = vector.broadcast %broadcast_in_dim3A_141 : vector<128x1x20xf32> to vector<128x20x20xf32>
    %sub3A_143 = arith.subf %add3A_139, %sub3A_142 : vector<128x20x20xf32>
    %exp3A = math.exp %sub3A_143 : vector<128x20x20xf32>
    %reduce_sum3A = arith.constant dense<0.000000e+00> : vector<128x20xf32>
    %reduce_sum3A_144 = vector.multi_reduction <add>, %exp3A, %reduce_sum3A [1] : vector<128x20x20xf32> to vector<128x20xf32>
    %broadcast_in_dim3A_145 = vector.shape_cast %reduce_sum3A_144 : vector<128x20xf32> to vector<128x1x20xf32>
    %div3A = vector.broadcast %broadcast_in_dim3A_145 : vector<128x1x20xf32> to vector<128x20x20xf32>
    %div3A_146 = arith.divf %exp3A, %div3A : vector<128x20x20xf32>
    %gt3A = arith.constant 1.000000e-01 : f32
    %gt3A_147 = vector.broadcast %gt3A : f32 to vector<128x20x20xf32>
    %gt3A_148 = arith.cmpf ogt, %div3A_146, %gt3A_147 : vector<128x20x20xf32>
    %jit3A = arith.constant 0.000000e+00 : f32
    %broadcast_in_dim3A_149 = vector.broadcast %jit3A : f32 to vector<128x20x20xf32>
    %select_n3A = arith.select %gt3A_148, %div3A_146, %broadcast_in_dim3A_149 : vector<128x20x20xi1>, vector<128x20x20xf32>
    %reduce_sum3A_150 = arith.constant dense<0.000000e+00> : vector<128x20xf32>
    %reduce_sum3A_151 = vector.multi_reduction <add>, %select_n3A, %reduce_sum3A_150 [1] : vector<128x20x20xf32> to vector<128x20xf32>
    %broadcast_in_dim3A_152 = vector.shape_cast %reduce_sum3A_151 : vector<128x20xf32> to vector<128x1x20xf32>
    %add3A_153 = arith.constant 9.99999997E-7 : f32
    %add3A_154 = vector.broadcast %add3A_153 : f32 to vector<128x1x20xf32>
    %add3A_155 = arith.addf %broadcast_in_dim3A_152, %add3A_154 : vector<128x1x20xf32>
    %div3A_156 = vector.broadcast %add3A_155 : vector<128x1x20xf32> to vector<128x20x20xf32>
    %div3A_157 = arith.divf %select_n3A, %div3A_156 : vector<128x20x20xf32>
    %convert_element_type3A = arith.truncf %add3A_122 : vector<128x20x64xf32> to vector<128x20x64xbf16>
    %convert_element_type3A_158 = arith.extf %convert_element_type3A : vector<128x20x64xbf16> to vector<128x20x64xf32>
    %convert_element_type3A_159 = arith.truncf %div3A_157 : vector<128x20x20xf32> to vector<128x20x20xbf16>
    %convert_element_type3A_160 = arith.extf %convert_element_type3A_159 : vector<128x20x20xbf16> to vector<128x20x20xf32>
    %broadcast_in_dim3A_161 = arith.constant 0xFF800000 : f32
    %broadcast_in_dim3A_162 = vector.broadcast %broadcast_in_dim3A_161 : f32 to vector<128x64xf32>
    %slice3A_163 = vector.extract_strided_slice %convert_element_type3A_160 {offsets = [0, 0, 0], sizes = [128, 20, 1], strides = [1, 1, 1]} : vector<128x20x20xf32> to vector<128x20x1xf32>
    %mul3A_164 = vector.broadcast %slice3A_163 : vector<128x20x1xf32> to vector<128x20x64xf32>
    %mul3A_165 = arith.mulf %convert_element_type3A_158, %mul3A_164 : vector<128x20x64xf32>
    %reduce_sum3A_166 = arith.constant dense<0.000000e+00> : vector<128x64xf32>
    %reduce_sum3A_167 = vector.multi_reduction <add>, %mul3A_165, %reduce_sum3A_166 [1] : vector<128x20x64xf32> to vector<128x64xf32>
    %max3A = arith.maximumf %broadcast_in_dim3A_162, %reduce_sum3A_167 : vector<128x64xf32>
    %slice3A_168 = vector.extract_strided_slice %convert_element_type3A_160 {offsets = [0, 0, 1], sizes = [128, 20, 1], strides = [1, 1, 1]} : vector<128x20x20xf32> to vector<128x20x1xf32>
    %mul3A_169 = vector.broadcast %slice3A_168 : vector<128x20x1xf32> to vector<128x20x64xf32>
    %mul3A_170 = arith.mulf %convert_element_type3A_158, %mul3A_169 : vector<128x20x64xf32>
    %reduce_sum3A_171 = arith.constant dense<0.000000e+00> : vector<128x64xf32>
    %reduce_sum3A_172 = vector.multi_reduction <add>, %mul3A_170, %reduce_sum3A_171 [1] : vector<128x20x64xf32> to vector<128x64xf32>
    %max3A_173 = arith.maximumf %max3A, %reduce_sum3A_172 : vector<128x64xf32>
    %slice3A_174 = vector.extract_strided_slice %convert_element_type3A_160 {offsets = [0, 0, 2], sizes = [128, 20, 1], strides = [1, 1, 1]} : vector<128x20x20xf32> to vector<128x20x1xf32>
    %mul3A_175 = vector.broadcast %slice3A_174 : vector<128x20x1xf32> to vector<128x20x64xf32>
    %mul3A_176 = arith.mulf %convert_element_type3A_158, %mul3A_175 : vector<128x20x64xf32>
    %reduce_sum3A_177 = arith.constant dense<0.000000e+00> : vector<128x64xf32>
    %reduce_sum3A_178 = vector.multi_reduction <add>, %mul3A_176, %reduce_sum3A_177 [1] : vector<128x20x64xf32> to vector<128x64xf32>
    %max3A_179 = arith.maximumf %max3A_173, %reduce_sum3A_178 : vector<128x64xf32>
    %slice3A_180 = vector.extract_strided_slice %convert_element_type3A_160 {offsets = [0, 0, 3], sizes = [128, 20, 1], strides = [1, 1, 1]} : vector<128x20x20xf32> to vector<128x20x1xf32>
    %mul3A_181 = vector.broadcast %slice3A_180 : vector<128x20x1xf32> to vector<128x20x64xf32>
    %mul3A_182 = arith.mulf %convert_element_type3A_158, %mul3A_181 : vector<128x20x64xf32>
    %reduce_sum3A_183 = arith.constant dense<0.000000e+00> : vector<128x64xf32>
    %reduce_sum3A_184 = vector.multi_reduction <add>, %mul3A_182, %reduce_sum3A_183 [1] : vector<128x20x64xf32> to vector<128x64xf32>
    %max3A_185 = arith.maximumf %max3A_179, %reduce_sum3A_184 : vector<128x64xf32>
    %slice3A_186 = vector.extract_strided_slice %convert_element_type3A_160 {offsets = [0, 0, 4], sizes = [128, 20, 1], strides = [1, 1, 1]} : vector<128x20x20xf32> to vector<128x20x1xf32>
    %mul3A_187 = vector.broadcast %slice3A_186 : vector<128x20x1xf32> to vector<128x20x64xf32>
    %mul3A_188 = arith.mulf %convert_element_type3A_158, %mul3A_187 : vector<128x20x64xf32>
    %reduce_sum3A_189 = arith.constant dense<0.000000e+00> : vector<128x64xf32>
    %reduce_sum3A_190 = vector.multi_reduction <add>, %mul3A_188, %reduce_sum3A_189 [1] : vector<128x20x64xf32> to vector<128x64xf32>
    %max3A_191 = arith.maximumf %max3A_185, %reduce_sum3A_190 : vector<128x64xf32>
    %slice3A_192 = vector.extract_strided_slice %convert_element_type3A_160 {offsets = [0, 0, 5], sizes = [128, 20, 1], strides = [1, 1, 1]} : vector<128x20x20xf32> to vector<128x20x1xf32>
    %mul3A_193 = vector.broadcast %slice3A_192 : vector<128x20x1xf32> to vector<128x20x64xf32>
    %mul3A_194 = arith.mulf %convert_element_type3A_158, %mul3A_193 : vector<128x20x64xf32>
    %reduce_sum3A_195 = arith.constant dense<0.000000e+00> : vector<128x64xf32>
    %reduce_sum3A_196 = vector.multi_reduction <add>, %mul3A_194, %reduce_sum3A_195 [1] : vector<128x20x64xf32> to vector<128x64xf32>
    %max3A_197 = arith.maximumf %max3A_191, %reduce_sum3A_196 : vector<128x64xf32>
    %slice3A_198 = vector.extract_strided_slice %convert_element_type3A_160 {offsets = [0, 0, 6], sizes = [128, 20, 1], strides = [1, 1, 1]} : vector<128x20x20xf32> to vector<128x20x1xf32>
    %mul3A_199 = vector.broadcast %slice3A_198 : vector<128x20x1xf32> to vector<128x20x64xf32>
    %mul3A_200 = arith.mulf %convert_element_type3A_158, %mul3A_199 : vector<128x20x64xf32>
    %reduce_sum3A_201 = arith.constant dense<0.000000e+00> : vector<128x64xf32>
    %reduce_sum3A_202 = vector.multi_reduction <add>, %mul3A_200, %reduce_sum3A_201 [1] : vector<128x20x64xf32> to vector<128x64xf32>
    %max3A_203 = arith.maximumf %max3A_197, %reduce_sum3A_202 : vector<128x64xf32>
    %slice3A_204 = vector.extract_strided_slice %convert_element_type3A_160 {offsets = [0, 0, 7], sizes = [128, 20, 1], strides = [1, 1, 1]} : vector<128x20x20xf32> to vector<128x20x1xf32>
    %mul3A_205 = vector.broadcast %slice3A_204 : vector<128x20x1xf32> to vector<128x20x64xf32>
    %mul3A_206 = arith.mulf %convert_element_type3A_158, %mul3A_205 : vector<128x20x64xf32>
    %reduce_sum3A_207 = arith.constant dense<0.000000e+00> : vector<128x64xf32>
    %reduce_sum3A_208 = vector.multi_reduction <add>, %mul3A_206, %reduce_sum3A_207 [1] : vector<128x20x64xf32> to vector<128x64xf32>
    %max3A_209 = arith.maximumf %max3A_203, %reduce_sum3A_208 : vector<128x64xf32>
    %slice3A_210 = vector.extract_strided_slice %convert_element_type3A_160 {offsets = [0, 0, 8], sizes = [128, 20, 1], strides = [1, 1, 1]} : vector<128x20x20xf32> to vector<128x20x1xf32>
    %mul3A_211 = vector.broadcast %slice3A_210 : vector<128x20x1xf32> to vector<128x20x64xf32>
    %mul3A_212 = arith.mulf %convert_element_type3A_158, %mul3A_211 : vector<128x20x64xf32>
    %reduce_sum3A_213 = arith.constant dense<0.000000e+00> : vector<128x64xf32>
    %reduce_sum3A_214 = vector.multi_reduction <add>, %mul3A_212, %reduce_sum3A_213 [1] : vector<128x20x64xf32> to vector<128x64xf32>
    %max3A_215 = arith.maximumf %max3A_209, %reduce_sum3A_214 : vector<128x64xf32>
    %slice3A_216 = vector.extract_strided_slice %convert_element_type3A_160 {offsets = [0, 0, 9], sizes = [128, 20, 1], strides = [1, 1, 1]} : vector<128x20x20xf32> to vector<128x20x1xf32>
    %mul3A_217 = vector.broadcast %slice3A_216 : vector<128x20x1xf32> to vector<128x20x64xf32>
    %mul3A_218 = arith.mulf %convert_element_type3A_158, %mul3A_217 : vector<128x20x64xf32>
    %reduce_sum3A_219 = arith.constant dense<0.000000e+00> : vector<128x64xf32>
    %reduce_sum3A_220 = vector.multi_reduction <add>, %mul3A_218, %reduce_sum3A_219 [1] : vector<128x20x64xf32> to vector<128x64xf32>
    %max3A_221 = arith.maximumf %max3A_215, %reduce_sum3A_220 : vector<128x64xf32>
    %slice3A_222 = vector.extract_strided_slice %convert_element_type3A_160 {offsets = [0, 0, 10], sizes = [128, 20, 1], strides = [1, 1, 1]} : vector<128x20x20xf32> to vector<128x20x1xf32>
    %mul3A_223 = vector.broadcast %slice3A_222 : vector<128x20x1xf32> to vector<128x20x64xf32>
    %mul3A_224 = arith.mulf %convert_element_type3A_158, %mul3A_223 : vector<128x20x64xf32>
    %reduce_sum3A_225 = arith.constant dense<0.000000e+00> : vector<128x64xf32>
    %reduce_sum3A_226 = vector.multi_reduction <add>, %mul3A_224, %reduce_sum3A_225 [1] : vector<128x20x64xf32> to vector<128x64xf32>
    %max3A_227 = arith.maximumf %max3A_221, %reduce_sum3A_226 : vector<128x64xf32>
    %slice3A_228 = vector.extract_strided_slice %convert_element_type3A_160 {offsets = [0, 0, 11], sizes = [128, 20, 1], strides = [1, 1, 1]} : vector<128x20x20xf32> to vector<128x20x1xf32>
    %mul3A_229 = vector.broadcast %slice3A_228 : vector<128x20x1xf32> to vector<128x20x64xf32>
    %mul3A_230 = arith.mulf %convert_element_type3A_158, %mul3A_229 : vector<128x20x64xf32>
    %reduce_sum3A_231 = arith.constant dense<0.000000e+00> : vector<128x64xf32>
    %reduce_sum3A_232 = vector.multi_reduction <add>, %mul3A_230, %reduce_sum3A_231 [1] : vector<128x20x64xf32> to vector<128x64xf32>
    %max3A_233 = arith.maximumf %max3A_227, %reduce_sum3A_232 : vector<128x64xf32>
    %slice3A_234 = vector.extract_strided_slice %convert_element_type3A_160 {offsets = [0, 0, 12], sizes = [128, 20, 1], strides = [1, 1, 1]} : vector<128x20x20xf32> to vector<128x20x1xf32>
    %mul3A_235 = vector.broadcast %slice3A_234 : vector<128x20x1xf32> to vector<128x20x64xf32>
    %mul3A_236 = arith.mulf %convert_element_type3A_158, %mul3A_235 : vector<128x20x64xf32>
    %reduce_sum3A_237 = arith.constant dense<0.000000e+00> : vector<128x64xf32>
    %reduce_sum3A_238 = vector.multi_reduction <add>, %mul3A_236, %reduce_sum3A_237 [1] : vector<128x20x64xf32> to vector<128x64xf32>
    %max3A_239 = arith.maximumf %max3A_233, %reduce_sum3A_238 : vector<128x64xf32>
    %slice3A_240 = vector.extract_strided_slice %convert_element_type3A_160 {offsets = [0, 0, 13], sizes = [128, 20, 1], strides = [1, 1, 1]} : vector<128x20x20xf32> to vector<128x20x1xf32>
    %mul3A_241 = vector.broadcast %slice3A_240 : vector<128x20x1xf32> to vector<128x20x64xf32>
    %mul3A_242 = arith.mulf %convert_element_type3A_158, %mul3A_241 : vector<128x20x64xf32>
    %reduce_sum3A_243 = arith.constant dense<0.000000e+00> : vector<128x64xf32>
    %reduce_sum3A_244 = vector.multi_reduction <add>, %mul3A_242, %reduce_sum3A_243 [1] : vector<128x20x64xf32> to vector<128x64xf32>
    %max3A_245 = arith.maximumf %max3A_239, %reduce_sum3A_244 : vector<128x64xf32>
    %slice3A_246 = vector.extract_strided_slice %convert_element_type3A_160 {offsets = [0, 0, 14], sizes = [128, 20, 1], strides = [1, 1, 1]} : vector<128x20x20xf32> to vector<128x20x1xf32>
    %mul3A_247 = vector.broadcast %slice3A_246 : vector<128x20x1xf32> to vector<128x20x64xf32>
    %mul3A_248 = arith.mulf %convert_element_type3A_158, %mul3A_247 : vector<128x20x64xf32>
    %reduce_sum3A_249 = arith.constant dense<0.000000e+00> : vector<128x64xf32>
    %reduce_sum3A_250 = vector.multi_reduction <add>, %mul3A_248, %reduce_sum3A_249 [1] : vector<128x20x64xf32> to vector<128x64xf32>
    %max3A_251 = arith.maximumf %max3A_245, %reduce_sum3A_250 : vector<128x64xf32>
    %slice3A_252 = vector.extract_strided_slice %convert_element_type3A_160 {offsets = [0, 0, 15], sizes = [128, 20, 1], strides = [1, 1, 1]} : vector<128x20x20xf32> to vector<128x20x1xf32>
    %mul3A_253 = vector.broadcast %slice3A_252 : vector<128x20x1xf32> to vector<128x20x64xf32>
    %mul3A_254 = arith.mulf %convert_element_type3A_158, %mul3A_253 : vector<128x20x64xf32>
    %reduce_sum3A_255 = arith.constant dense<0.000000e+00> : vector<128x64xf32>
    %reduce_sum3A_256 = vector.multi_reduction <add>, %mul3A_254, %reduce_sum3A_255 [1] : vector<128x20x64xf32> to vector<128x64xf32>
    %max3A_257 = arith.maximumf %max3A_251, %reduce_sum3A_256 : vector<128x64xf32>
    %slice3A_258 = vector.extract_strided_slice %convert_element_type3A_160 {offsets = [0, 0, 16], sizes = [128, 20, 1], strides = [1, 1, 1]} : vector<128x20x20xf32> to vector<128x20x1xf32>
    %mul3A_259 = vector.broadcast %slice3A_258 : vector<128x20x1xf32> to vector<128x20x64xf32>
    %mul3A_260 = arith.mulf %convert_element_type3A_158, %mul3A_259 : vector<128x20x64xf32>
    %reduce_sum3A_261 = arith.constant dense<0.000000e+00> : vector<128x64xf32>
    %reduce_sum3A_262 = vector.multi_reduction <add>, %mul3A_260, %reduce_sum3A_261 [1] : vector<128x20x64xf32> to vector<128x64xf32>
    %max3A_263 = arith.maximumf %max3A_257, %reduce_sum3A_262 : vector<128x64xf32>
    %slice3A_264 = vector.extract_strided_slice %convert_element_type3A_160 {offsets = [0, 0, 17], sizes = [128, 20, 1], strides = [1, 1, 1]} : vector<128x20x20xf32> to vector<128x20x1xf32>
    %mul3A_265 = vector.broadcast %slice3A_264 : vector<128x20x1xf32> to vector<128x20x64xf32>
    %mul3A_266 = arith.mulf %convert_element_type3A_158, %mul3A_265 : vector<128x20x64xf32>
    %reduce_sum3A_267 = arith.constant dense<0.000000e+00> : vector<128x64xf32>
    %reduce_sum3A_268 = vector.multi_reduction <add>, %mul3A_266, %reduce_sum3A_267 [1] : vector<128x20x64xf32> to vector<128x64xf32>
    %max3A_269 = arith.maximumf %max3A_263, %reduce_sum3A_268 : vector<128x64xf32>
    %slice3A_270 = vector.extract_strided_slice %convert_element_type3A_160 {offsets = [0, 0, 18], sizes = [128, 20, 1], strides = [1, 1, 1]} : vector<128x20x20xf32> to vector<128x20x1xf32>
    %mul3A_271 = vector.broadcast %slice3A_270 : vector<128x20x1xf32> to vector<128x20x64xf32>
    %mul3A_272 = arith.mulf %convert_element_type3A_158, %mul3A_271 : vector<128x20x64xf32>
    %reduce_sum3A_273 = arith.constant dense<0.000000e+00> : vector<128x64xf32>
    %reduce_sum3A_274 = vector.multi_reduction <add>, %mul3A_272, %reduce_sum3A_273 [1] : vector<128x20x64xf32> to vector<128x64xf32>
    %max3A_275 = arith.maximumf %max3A_269, %reduce_sum3A_274 : vector<128x64xf32>
    %slice3A_276 = vector.extract_strided_slice %convert_element_type3A_160 {offsets = [0, 0, 19], sizes = [128, 20, 1], strides = [1, 1, 1]} : vector<128x20x20xf32> to vector<128x20x1xf32>
    %mul3A_277 = vector.broadcast %slice3A_276 : vector<128x20x1xf32> to vector<128x20x64xf32>
    %mul3A_278 = arith.mulf %convert_element_type3A_158, %mul3A_277 : vector<128x20x64xf32>
    %reduce_sum3A_279 = arith.constant dense<0.000000e+00> : vector<128x64xf32>
    %reduce_sum3A_280 = vector.multi_reduction <add>, %mul3A_278, %reduce_sum3A_279 [1] : vector<128x20x64xf32> to vector<128x64xf32>
    %max3A_281 = arith.maximumf %max3A_275, %reduce_sum3A_280 : vector<128x64xf32>
    %get3A_282 = arith.constant 0 : index
    %get3A_283 = arith.constant 0 : index
    %get3A_284 = vector.load %arg15[%get3A_282, %get3A_283] : memref<1x64xf32, #tpu.memory_space<vmem>>, vector<1x64xf32>
    %get3A_285 = vector.shape_cast %get3A_284 : vector<1x64xf32> to vector<64xf32>
    %broadcast_in_dim3A_286 = vector.shape_cast %get3A_285 : vector<64xf32> to vector<1x64xf32>
    %add3A_287 = vector.broadcast %broadcast_in_dim3A_286 : vector<1x64xf32> to vector<128x64xf32>
    %add3A_288 = arith.addf %max3A_281, %add3A_287 : vector<128x64xf32>
    %mul3A_289 = arith.constant 5.000000e-01 : f32
    %mul3A_290 = vector.broadcast %mul3A_289 : f32 to vector<128x64xf32>
    %mul3A_291 = arith.mulf %mul3A_290, %add3A_288 : vector<128x64xf32>
    %div3A_292 = arith.constant 1.41421354 : f32
    %div3A_293 = vector.broadcast %div3A_292 : f32 to vector<128x64xf32>
    %div3A_294 = arith.divf %add3A_288, %div3A_293 : vector<128x64xf32>
    %erf3A = math.erf %div3A_294 : vector<128x64xf32>
    %add3A_295 = arith.constant 1.000000e+00 : f32
    %add3A_296 = vector.broadcast %add3A_295 : f32 to vector<128x64xf32>
    %add3A_297 = arith.addf %add3A_296, %erf3A : vector<128x64xf32>
    %mul3A_298 = arith.mulf %mul3A_291, %add3A_297 : vector<128x64xf32>
    %get3A_299 = arith.constant 0 : index
    %get3A_300 = arith.constant 0 : index
    %get3A_301 = arith.constant 0 : index
    %get3A_302 = vector.load %arg6[%get3A_299, %get3A_300, %get3A_301] : memref<1x64x128xf32, #tpu.memory_space<vmem>>, vector<1x64x128xf32>
    %get3A_303 = vector.shape_cast %get3A_302 : vector<1x64x128xf32> to vector<64x128xf32>
    %get3A_304 = arith.constant 0 : index
    %get3A_305 = arith.constant 0 : index
    %get3A_306 = vector.load %arg16[%get3A_304, %get3A_305] : memref<64x64xf32, #tpu.memory_space<vmem>>, vector<64x64xf32>
    %dot_general3A_307 = arith.constant dense<0.000000e+00> : vector<64x128xf32>
    %dot_general3A_308 = tpu.matmul %get3A_306, %get3A_303, %dot_general3A_307 {dimension_numbers = #tpu.dot_dimension_numbers<[1], [0], [0], [1], [0, 0, 1, 1], [], []>, transpose_lhs_hint = false} : vector<64x64xf32>, vector<64x128xf32>, vector<64x128xf32> -> vector<64x128xf32>
    %transpose3A = tpu.transpose %mul3A_298, [1, 0] : vector<128x64xf32> -> vector<64x128xf32>
    %add3A_309 = arith.addf %transpose3A, %dot_general3A_308 : vector<64x128xf32>
    %swap3A = arith.constant 0 : index
    %swap3A_310 = arith.constant 0 : index
    %swap3A_311 = arith.constant 0 : index
    %swap3A_312 = vector.load %arg17[%swap3A, %swap3A_310, %swap3A_311] : memref<1x64x128xf32, #tpu.memory_space<vmem>>, vector<1x64x128xf32>
    %swap3A_313 = vector.shape_cast %swap3A_312 : vector<1x64x128xf32> to vector<64x128xf32>
    %swap3A_314 = vector.shape_cast %add3A_309 : vector<64x128xf32> to vector<1x64x128xf32>
    tpu.vector_store %arg17[%swap3A, %swap3A_310, %swap3A_311], %swap3A_314 {strides = array<i32>} : memref<1x64x128xf32, #tpu.memory_space<vmem>>, vector<1x64x128xf32>,
    return
  }
  func.func @transform_0(%arg0: i32, %arg1: i32) -> (i32, i32, i32, i32) {
    %c0_i32 = arith.constant 0 : i32
    %c0_i32_0 = arith.constant 0 : i32
    %c0_i32_1 = arith.constant 0 : i32
    return %arg0, %arg1, %c0_i32, %c0_i32_0 : i32, i32, i32, i32
  }
  func.func @transform_1(%arg0: i32, %arg1: i32) -> (i32, i32, i32) {
    %c0_i32 = arith.constant 0 : i32
    %c0_i32_0 = arith.constant 0 : i32
    return %arg0, %arg1, %c0_i32 : i32, i32, i32
  }
  func.func @transform_2(%arg0: i32, %arg1: i32) -> (i32, i32, i32) {
    %c0_i32 = arith.constant 0 : i32
    %c0_i32_0 = arith.constant 0 : i32
    return %arg0, %arg1, %c0_i32 : i32, i32, i32
  }
  func.func @transform_3(%arg0: i32, %arg1: i32) -> (i32, i32, i32) {
    %c0_i32 = arith.constant 0 : i32
    %c0_i32_0 = arith.constant 0 : i32
    return %arg0, %arg1, %c0_i32 : i32, i32, i32
  }
  func.func @transform_4(%arg0: i32, %arg1: i32) -> (i32, i32, i32) {
    %c0_i32 = arith.constant 0 : i32
    %c0_i32_0 = arith.constant 0 : i32
    return %arg0, %c0_i32, %arg1 : i32, i32, i32
  }
  func.func @transform_5(%arg0: i32, %arg1: i32) -> (i32, i32) {
    %c0_i32 = arith.constant 0 : i32
    %c0_i32_0 = arith.constant 0 : i32
    %c0_i32_1 = arith.constant 0 : i32
    return %c0_i32, %c0_i32_0 : i32, i32
  }
  func.func @transform_6(%arg0: i32, %arg1: i32) -> (i32, i32) {
    %c0_i32 = arith.constant 0 : i32
    %c0_i32_0 = arith.constant 0 : i32
    %c0_i32_1 = arith.constant 0 : i32
    return %c0_i32, %c0_i32_0 : i32, i32
  }
  func.func @transform_7(%arg0: i32, %arg1: i32) -> (i32, i32) {
    %c0_i32 = arith.constant 0 : i32
    %c0_i32_0 = arith.constant 0 : i32
    %c0_i32_1 = arith.constant 0 : i32
    return %c0_i32, %c0_i32_0 : i32, i32
  }
  func.func @transform_8(%arg0: i32, %arg1: i32) -> (i32, i32) {
    %c0_i32 = arith.constant 0 : i32
    %c0_i32_0 = arith.constant 0 : i32
    %c0_i32_1 = arith.constant 0 : i32
    return %c0_i32, %c0_i32_0 : i32, i32
  }
  func.func @transform_9(%arg0: i32, %arg1: i32) -> (i32, i32) {
    %c0_i32 = arith.constant 0 : i32
    %c0_i32_0 = arith.constant 0 : i32
    %c0_i32_1 = arith.constant 0 : i32
    return %c0_i32, %c0_i32_0 : i32, i32
  }
  func.func @transform_10(%arg0: i32, %arg1: i32) -> (i32, i32) {
    %c0_i32 = arith.constant 0 : i32
    %c0_i32_0 = arith.constant 0 : i32
    %c0_i32_1 = arith.constant 0 : i32
    return %c0_i32, %c0_i32_0 : i32, i32
  }
  func.func @transform_11(%arg0: i32, %arg1: i32) -> (i32, i32) {
    %c0_i32 = arith.constant 0 : i32
    %c0_i32_0 = arith.constant 0 : i32
    %c0_i32_1 = arith.constant 0 : i32
    return %c0_i32, %c0_i32_0 : i32, i32
  }
  func.func @transform_12(%arg0: i32, %arg1: i32) -> (i32, i32) {
    %c0_i32 = arith.constant 0 : i32
    %c0_i32_0 = arith.constant 0 : i32
    %c0_i32_1 = arith.constant 0 : i32
    return %c0_i32, %c0_i32_0 : i32, i32
  }
  func.func @transform_13(%arg0: i32, %arg1: i32) -> (i32, i32) {
    %c0_i32 = arith.constant 0 : i32
    %c0_i32_0 = arith.constant 0 : i32
    %c0_i32_1 = arith.constant 0 : i32
    return %c0_i32, %c0_i32_0 : i32, i32
  }
  func.func @transform_14(%arg0: i32, %arg1: i32) -> (i32, i32) {
    %c0_i32 = arith.constant 0 : i32
    %c0_i32_0 = arith.constant 0 : i32
    %c0_i32_1 = arith.constant 0 : i32
    return %c0_i32, %c0_i32_0 : i32, i32
  }
  func.func @transform_15(%arg0: i32, %arg1: i32) -> (i32, i32, i32) {
    %c0_i32 = arith.constant 0 : i32
    %c0_i32_0 = arith.constant 0 : i32
    return %arg0, %c0_i32, %arg1 : i32, i32, i32
  }
}

module attributes {stable_mosaic.version = 14 : i64} {
  func.func @_bn_body(%arg0: i32, %arg1: memref<8x64x2048xf32, #tpu.memory_space<vmem>>, %arg2: memref<1x64xf32, #tpu.memory_space<vmem>>, %arg3: memref<1x64xf32, #tpu.memory_space<vmem>>, %arg4: memref<8x64x2048xf32, #tpu.memory_space<vmem>>) attributes {dimension_semantics = [#tpu.dimension_semantics<arbitrary>], iteration_bounds = array<i64: 1>, scalar_prefetch = 0 : i64, scratch_operands = 0 : i64, tpu.core_type = #tpu.core_type<tc>, window_params = [{pipeline_mode = #tpu.pipeline_mode<synchronous>, transform_indices = @transform_0, window_bounds = array<i64: 8, 64, 2048>}, {pipeline_mode = #tpu.pipeline_mode<synchronous>, transform_indices = @transform_1, window_bounds = array<i64: 1, 64>}, {pipeline_mode = #tpu.pipeline_mode<synchronous>, transform_indices = @transform_2, window_bounds = array<i64: 1, 64>}, {pipeline_mode = #tpu.pipeline_mode<synchronous>, transform_indices = @transform_3, window_bounds = array<i64: 8, 64, 2048>}]} {
    %get3A = arith.constant 0 : index
    %get3A_0 = arith.constant 0 : index
    %get3A_1 = arith.constant 0 : index
    %get3A_2 = vector.load %arg1[%get3A, %get3A_0, %get3A_1] : memref<8x64x2048xf32, #tpu.memory_space<vmem>>, vector<8x64x2048xf32>
    %reduce_sum3A = arith.constant dense<0.000000e+00> : vector<64xf32>
    %reduce_sum3A_3 = vector.multi_reduction <add>, %get3A_2, %reduce_sum3A [0, 2] : vector<8x64x2048xf32> to vector<64xf32>
    %broadcast_in_dim3A = vector.shape_cast %reduce_sum3A_3 : vector<64xf32> to vector<1x64x1xf32>
    %div3A = arith.constant 1.638400e+04 : f32
    %div3A_4 = vector.broadcast %div3A : f32 to vector<1x64x1xf32>
    %div3A_5 = arith.divf %broadcast_in_dim3A, %div3A_4 : vector<1x64x1xf32>
    %sub3A = vector.broadcast %div3A_5 : vector<1x64x1xf32> to vector<8x64x2048xf32>
    %sub3A_6 = arith.subf %get3A_2, %sub3A : vector<8x64x2048xf32>
    %sub3A_7 = vector.broadcast %div3A_5 : vector<1x64x1xf32> to vector<8x64x2048xf32>
    %sub3A_8 = arith.subf %get3A_2, %sub3A_7 : vector<8x64x2048xf32>
    %mul3A = arith.mulf %sub3A_6, %sub3A_8 : vector<8x64x2048xf32>
    %reduce_sum3A_9 = arith.constant dense<0.000000e+00> : vector<64xf32>
    %reduce_sum3A_10 = vector.multi_reduction <add>, %mul3A, %reduce_sum3A_9 [0, 2] : vector<8x64x2048xf32> to vector<64xf32>
    %broadcast_in_dim3A_11 = vector.shape_cast %reduce_sum3A_10 : vector<64xf32> to vector<1x64x1xf32>
    %div3A_12 = arith.constant 1.638400e+04 : f32
    %div3A_13 = vector.broadcast %div3A_12 : f32 to vector<1x64x1xf32>
    %div3A_14 = arith.divf %broadcast_in_dim3A_11, %div3A_13 : vector<1x64x1xf32>
    %get3A_15 = arith.constant 0 : index
    %get3A_16 = arith.constant 0 : index
    %get3A_17 = vector.load %arg2[%get3A_15, %get3A_16] : memref<1x64xf32, #tpu.memory_space<vmem>>, vector<1x64xf32>
    %get3A_18 = vector.shape_cast %get3A_17 : vector<1x64xf32> to vector<64xf32>
    %broadcast_in_dim3A_19 = vector.shape_cast %get3A_18 : vector<64xf32> to vector<1x64x1xf32>
    %get3A_20 = arith.constant 0 : index
    %get3A_21 = arith.constant 0 : index
    %get3A_22 = vector.load %arg3[%get3A_20, %get3A_21] : memref<1x64xf32, #tpu.memory_space<vmem>>, vector<1x64xf32>
    %get3A_23 = vector.shape_cast %get3A_22 : vector<1x64xf32> to vector<64xf32>
    %broadcast_in_dim3A_24 = vector.shape_cast %get3A_23 : vector<64xf32> to vector<1x64x1xf32>
    %sub3A_25 = vector.broadcast %div3A_5 : vector<1x64x1xf32> to vector<8x64x2048xf32>
    %sub3A_26 = arith.subf %get3A_2, %sub3A_25 : vector<8x64x2048xf32>
    %add3A = arith.constant 9.99999974E-6 : f32
    %add3A_27 = vector.broadcast %add3A : f32 to vector<1x64x1xf32>
    %add3A_28 = arith.addf %div3A_14, %add3A_27 : vector<1x64x1xf32>
    %sqrt3A = math.sqrt %add3A_28 : vector<1x64x1xf32>
    %div3A_29 = vector.broadcast %sqrt3A : vector<1x64x1xf32> to vector<8x64x2048xf32>
    %div3A_30 = arith.divf %sub3A_26, %div3A_29 : vector<8x64x2048xf32>
    %mul3A_31 = vector.broadcast %broadcast_in_dim3A_19 : vector<1x64x1xf32> to vector<8x64x2048xf32>
    %mul3A_32 = arith.mulf %div3A_30, %mul3A_31 : vector<8x64x2048xf32>
    %add3A_33 = vector.broadcast %broadcast_in_dim3A_24 : vector<1x64x1xf32> to vector<8x64x2048xf32>
    %add3A_34 = arith.addf %mul3A_32, %add3A_33 : vector<8x64x2048xf32>
    %swap3A = arith.constant 0 : index
    %swap3A_35 = arith.constant 0 : index
    %swap3A_36 = arith.constant 0 : index
    %swap3A_37 = vector.load %arg4[%swap3A, %swap3A_35, %swap3A_36] : memref<8x64x2048xf32, #tpu.memory_space<vmem>>, vector<8x64x2048xf32>
    tpu.vector_store %arg4[%swap3A, %swap3A_35, %swap3A_36], %add3A_34 {strides = array<i32>} : memref<8x64x2048xf32, #tpu.memory_space<vmem>>, vector<8x64x2048xf32>,
    return
  }
  func.func @transform_0(%arg0: i32) -> (i32, i32, i32) {
    %c0_i32 = arith.constant 0 : i32
    %c0_i32_0 = arith.constant 0 : i32
    %c0_i32_1 = arith.constant 0 : i32
    %c0_i32_2 = arith.constant 0 : i32
    return %c0_i32, %c0_i32_0, %c0_i32_1 : i32, i32, i32
  }
  func.func @transform_1(%arg0: i32) -> (i32, i32) {
    %c0_i32 = arith.constant 0 : i32
    %c0_i32_0 = arith.constant 0 : i32
    %c0_i32_1 = arith.constant 0 : i32
    return %c0_i32, %c0_i32_0 : i32, i32
  }
  func.func @transform_2(%arg0: i32) -> (i32, i32) {
    %c0_i32 = arith.constant 0 : i32
    %c0_i32_0 = arith.constant 0 : i32
    %c0_i32_1 = arith.constant 0 : i32
    return %c0_i32, %c0_i32_0 : i32, i32
  }
  func.func @transform_3(%arg0: i32) -> (i32, i32, i32) {
    %c0_i32 = arith.constant 0 : i32
    %c0_i32_0 = arith.constant 0 : i32
    %c0_i32_1 = arith.constant 0 : i32
    %c0_i32_2 = arith.constant 0 : i32
    return %c0_i32, %c0_i32_0, %c0_i32_1 : i32, i32, i32
  }
}

</mosaic_0001>

<sc_bundles>
// kernel: kernel.6.cloned.1.call-start
scs
__scs_entry_jumppad:
0x0: {  	(pc) =	sbr.rel $0x88, $3  }
0x1: {  	(tag) =	ssettag $0x0;
	lr =	simm.s32 $0x1  }
0x2: {  	[smem:$0x3F94] =	sst lr;
	_ =	strace $0xD0000000  }
0x3: {  	_ = 	snop  }
0x4: {  	_ = 	snop  }
0x5: {  	_ = 	snop  }
0x6: {  	_ = 	snop  }
0x7: {  	_ = 	snop  }
__scs_overlays_trampoline_lowered:
0x8: {  	[smem:$0x3FA3] =	sst s0  }
0x9: {  	[smem:$0x3FA4] =	sst s1  }
0xa: {  	[smem:$0x3FA5] =	sst s2  }
0xb: {  	[smem:$0x3FA6] =	sst s3  }
0xc: {  	[smem:$0x3FA7] =	sst s4  }
0xd: {  	[smem:$0x3FA8] =	sst s5  }
0xe: {  	[smem:$0x3FA9] =	sst s6  }
0xf: {  	[smem:$0x3FAA] =	sst s7  }
0x10: {  	[smem:$0x3FAB] =	sst s8  }
0x11: {  	[smem:$0x3FAC] =	sst s9;
	s0 =	simm.s32 @!p0 $0x0  }
0x12: {  	s1 =	sld [smem:$0x3F92];
	s0 =	simm.s32 @p0 $0x1  }
0x13: {  	[smem:$0x3FAD] =	sst s0;
	s0 =	simm.s32 @!p1 $0x0  }
0x14: {  	s2 =	sld [smem:$0x3F91];
	s0 =	simm.s32 @p1 $0x1  }
0x15: {  	[smem:$0x3FAE] =	sst s0;
	s0 =	simm.s32 @!p2 $0x0  }
0x16: {  	s3 =	sld [smem:$0x3FDB];
	s0 =	simm.s32 @p2 $0x1  }
0x17: {  	s4 =	simm.s32 $0x1BF5;
	[smem:$0x3FB0] =	sst s0  }
0x18: {  	s0 =	sld [smem:$0x3F93];
	_ =	swait.ge [sflag:s4], $0x0  }
0x19: {  	s7 =	sld [smem:$0x3F94]  }
0x1a: {  	s8 =	sadd.s32 $0xFFFFE003, lr  }
0x1b: {  	s9 =	sadd.s32 $0xFFFFFEF7, lr;
	s5 =	simm.s32 $0xFFFFFFFF;
	p2 =	slt.u32 s8, $0xFFFFF086  }
0x1c: {  	p1 =	slt.u32 s9, $0xF7A;
	s5 =	simm.s32 @!p2 $0x0  }
0x1d: {  	s5 =	simm.s32 @p1 $0x1;
	p0 =	seq.s32 s7, s2  }
0x1e: {  	s7 =	smul.u32 @!p0 $0xF7A, s2;
	p2 =	seq.s32 @!p0 s5, $0x0  }
0x1f: {  	s9 =	smul.u32 $0xF7A, s1;
	s8 =	simm.s32 @!p0 $0x1BF5;
	p2 =	por !p2, p0  }
0x20: {  	[sflag:s8] =	ssyncset.s32 @!p0 $0xFFFFF086;
	s6 =	sadd.s32 @!p0 s3, s7;
	s7 =	simm.s32 @!p0 $0x108  }
0x21: {  	s3 =	sadd.s32 s3, s9;
	s6 =	sadd.s32 @!p0 $0x88, s6;
	s7 =	simm.s32 @p2 $0x1082  }
0x22: {  	[simem:s7], [sflag:s8] =	dma.local @!p0 [hbm:s6], $0xF7A  }
0x23: {  	s9 =	sor.u32 $0xD0000000, s2;
	s6 =	simm.s32 $0x108;
	_ =	swait.ge @!p0 [sflag:s8], $0x0  }
0x24: {  	s3 =	sadd.s32 $0x88, s3;
	s6 =	simm.s32 @!p1 $0x1082;
	[sflag:s4] =	ssyncset.s32 $0xFFFFF086  }
0x25: {  	[simem:s6], [sflag:s4] =	dma.local [hbm:s3], $0xF7A  }
0x26: {  	[smem:$0x3F94] =	sst s1;
	(tag) =	ssettag s2;
	_ =	strace s9  }
0x27: {  	s1 =	sld [smem:$0x3FA4]  }
0x28: {  	s2 =	sld [smem:$0x3FA5]  }
0x29: {  	s4 =	sld [smem:$0x3FA7]  }
0x2a: {  	p0 =	seq.s32 s5, $0x0;
	s5 =	sld [smem:$0x3FA8]  }
0x2b: {  	s6 =	sld [smem:$0x3FA9]  }
0x2c: {  	s7 =	sld [smem:$0x3FAA]  }
0x2d: {  	s3 =	simm.s32 $0x108;
	s8 =	sld [smem:$0x3FAB]  }
0x2e: {  	s3 =	simm.s32 @!p0 $0x1082;
	s9 =	sld [smem:$0x3FAC]  }
0x2f: {  	lr =	sadd.s32 s0, s3;
	s0 =	sld [smem:$0x3FA3]  }
0x30: {  	s3 =	sld [smem:$0x3FA6]  }
0x31: {  	[smem:$0x3FAF] =	sst s10  }
0x32: {  	s10 =	sld [smem:$0x3FAD];
	_ =	sdelay $0x3  }
0x33: {  	p0 =	seq.s32 s10, $0x1;
	s10 =	sld [smem:$0x3FAF];
	_ =	sdelay $0x3  }
0x34: {  	[smem:$0x3FAF] =	sst s10  }
0x35: {  	s10 =	sld [smem:$0x3FAE];
	_ =	sdelay $0x3  }
0x36: {  	p1 =	seq.s32 s10, $0x1;
	s10 =	sld [smem:$0x3FAF];
	_ =	sdelay $0x3  }
0x37: {  	[smem:$0x3FAF] =	sst s10  }
0x38: {  	s10 =	sld [smem:$0x3FB0]  }
0x39: {  	_ = 	snop;
	(pc) =	sbr.ind lr, $3  }
0x3a: {  	_ = 	snop  }
0x3b: {  	_ = 	snop  }
0x3c: {  	p2 =	seq.s32 s10, $0x1;
	s10 =	sld [smem:$0x3FAF]  }
0x3d: {  	_ =	shalt  }
0x3e: {  	_ =	shalt  }
0x3f: {  	_ =	shalt  }
0x40: {  	_ =	shalt  }
0x41: {  	_ =	shalt  }
0x42: {  	_ =	shalt  }
0x43: {  	_ =	shalt  }
0x44: {  	_ =	shalt  }
0x45: {  	_ =	shalt  }
0x46: {  	_ =	shalt  }
0x47: {  	_ =	shalt  }
0x48: {  	_ =	shalt  }
0x49: {  	_ =	shalt  }
0x4a: {  	_ =	shalt  }
0x4b: {  	_ =	shalt  }
0x4c: {  	_ =	shalt  }
0x4d: {  	_ =	shalt  }
0x4e: {  	_ =	shalt  }
0x4f: {  	_ =	shalt  }
0x50: {  	_ =	shalt  }
0x51: {  	_ =	shalt  }
0x52: {  	_ =	shalt  }
0x53: {  	_ =	shalt  }
0x54: {  	_ =	shalt  }
0x55: {  	_ =	shalt  }
0x56: {  	_ =	shalt  }
0x57: {  	_ =	shalt  }
0x58: {  	_ =	shalt  }
0x59: {  	_ =	shalt  }
0x5a: {  	_ =	shalt  }
0x5b: {  	_ =	shalt  }
0x5c: {  	_ =	shalt  }
0x5d: {  	_ =	shalt  }
0x5e: {  	_ =	shalt  }
0x5f: {  	_ =	shalt  }
0x60: {  	_ =	shalt  }
0x61: {  	_ =	shalt  }
0x62: {  	_ =	shalt  }
0x63: {  	_ =	shalt  }
0x64: {  	_ =	shalt  }
0x65: {  	_ =	shalt  }
0x66: {  	_ =	shalt  }
0x67: {  	_ =	shalt  }
0x68: {  	_ =	shalt  }
0x69: {  	_ =	shalt  }
0x6a: {  	_ =	shalt  }
0x6b: {  	_ =	shalt  }
0x6c: {  	_ =	shalt  }
0x6d: {  	_ =	shalt  }
0x6e: {  	_ =	shalt  }
0x6f: {  	_ =	shalt  }
0x70: {  	_ =	shalt  }
0x71: {  	_ =	shalt  }
0x72: {  	_ =	shalt  }
0x73: {  	_ =	shalt  }
0x74: {  	_ =	shalt  }
0x75: {  	_ =	shalt  }
0x76: {  	_ =	shalt  }
0x77: {  	_ =	shalt  }
0x78: {  	_ =	shalt  }
0x79: {  	_ =	shalt  }
0x7a: {  	_ =	shalt  }
0x7b: {  	_ =	shalt  }
0x7c: {  	_ =	shalt  }
0x7d: {  	_ =	shalt  }
0x7e: {  	_ =	shalt  }
0x7f: {  	_ =	shalt  }
0x80: {  	_ =	shalt  }
0x81: {  	_ =	shalt  }
0x82: {  	_ =	shalt  }
0x83: {  	_ =	shalt  }
0x84: {  	_ =	shalt  }
0x85: {  	_ =	shalt  }
0x86: {  	_ =	shalt  }
0x87: {  	_ =	shalt  }
.Lfunc_end0:
.L_simem_size_0:
called_computation_lowered:
.L_overlay_start_0:
0x88: {  	s2 =	sld [smem:$0x3FD9]  }
0x89: {  	s3 =	sld [smem:$0x3FFE];
	_ =	sdelay $0x1  }
0x8a: {  	s1 =	srdreg.scid  }
0x8b: {  	s0 =	sand.u32 $0x1, s1  }
0x8c: {  	s17 =	sshll.u32 s0, $0xA;
	s2 =	sadd.s32 s3, s2  }
0x8d: {  	s2 =	sadd.s32 s2, s17  }
0x8e: {  	[smem:$0x3FBB] =	sst s2  }
0x8f: {  	_ = 	snop  }
0x90: {  	s2 =	sld [smem:$0x3FD0];
	(tm) =	ssettm $0x1  }
0x91: {  	s18 =	sld [smem:$0x3FFB];
	_ =	sdelay $0x3  }
0x92: {  	_ =	strace s18  }
0x93: {  	s3 =	sld [smem:$0x3FFC];
	_ =	sdelay $0x3  }
0x94: {  	_ =	strace s3  }
0x95: {  	s3 =	sld [smem:$0x3FFD];
	_ =	sdelay $0x3  }
0x96: {  	_ =	strace s3  }
0x97: {  	_ =	strace $0x8FFFFFFF  }
0x98: {  	s19 =	sld [smem:$0x3FDB];
	_ =	sdelay $0x1  }
0x99: {  	s4 =	simm.s32 $_scs_section_size  }
0x9a: {  	s5 =	simm.s32 $_size__tile_overlayer_lowered;
	s6 =	simm.s32 $_tile_overlayer_lowered  }
0x9b: {  	s22 =	simm.s32 $0x1BFF;
	s21 =	sshll.u32 s6, $0x1;
	s3 =	sadd.s32 s4, s19  }
0x9c: {  	s7 =	simm.s32 $0x0;
	s20 =	sshll.u32 s5, $0x1;
	s5 =	sadd.s32 s21, s3  }
0x9d: {  	[timem:s7], [sflag:s22] =	dma.local [hbm:s5], s20  }
0x9e: {  	_ =	swait.ge [sflag:s22], s20  }
0x9f: {  	s4 =	ssub.s32 $0x0, s20;
	[sflag:s22] =	ssyncset.done $0x0  }
0xa0: {  	[sflag:s22] =	ssyncadd.s32 s4;
	_ =	sdelay $0x1  }
0xa1: {  	s23 =	simm.s32 $0x1B8B  }
0xa2: {  	_ =	swait.ge [sflag:s23], $0x1  }
0xa3: {  	[sflag:s23] =	ssyncset.done $0x0  }
0xa4: {  	s25 =	simm.s32 $0x1B8E;
	s24 =	sld [smem:$0x3FFE];
	[sflag:s23] =	ssyncadd.s32 $0xFFFFFFFF  }
0xa5: {  	s26 =	simm.s32 $execute0_lowered;
	[smem:$0x3FD2] =	sst s25  }
0xa6: {  	s5 =	sshll.u32 s26, $0x1;
	_ =	strace $0x80000046;
	[dreg:$0x1] =	wrdreg $0xFFFFFFFF  }
0xa7: {  	s28 =	simm.s32 $_size_execute0_lowered;
	s3 =	sadd.s32 s3, s5;
	[dreg:$0x0] =	wrdreg $0x0  }
0xa8: {  	s5 =	sshll.u32 s28, $0x1;
	[dreg:$0x2] =	wrdreg s3  }
0xa9: {  	[dreg:$0x3] =	wrdreg s5  }
0xaa: {  	[dreg:$0x4] =	wrdreg $0xC0  }
0xab: {  	_ =	task [dreg:s7], $0x5FFFF  }
0xac: {  	[dreg:$0x1] =	wrdreg $0xFFFFFFFF  }
0xad: {  	[dreg:$0x0] =	wrdreg $0x60  }
0xae: {  	[dreg:$0x2] =	wrdreg s24  }
0xaf: {  	[dreg:$0x3] =	wrdreg s2  }
0xb0: {  	[dreg:$0x4] =	wrdreg $0x9  }
0xb1: {  	_ =	task.clear_ibuf [dreg:s7], $0x5FFFF;
	_ =	strace $0x90000046  }
0xb2: {  	s29 =	simm.s32 $0x9;
	_ =	strace $0x80000048  }
0xb3: {  	_ =	swait.ge [sflag:s29], $0x1  }
0xb4: {  	[sflag:s29] =	ssyncadd.s32 $0xFFFFFFFF  }
0xb5: {  	_ =	strace $0x90000048  }
0xb6: {  	_ =	sfence  }
0xb7: {  	s30 =	sld [smem:$0x0];
	_ =	sdelay $0x2  }
0xb8: {  	s31 =	sshll.u32 s1, $0xD;
	s1 =	sshrl.u32 s1, $0x2  }
0xb9: {  	s3 =	sand.u32 $0x4000, s31;
	s1 =	sadd.s32 s1, s30  }
0xba: {  	s0 =	sor.u32 s3, s0;
	s1 =	sshll.u32 s1, $0x11  }
0xbb: {  	s0 =	sor.u32 s1, s0  }
0xbc: {  	s0 =	sadd.s32 $0x8F2B, s0  }
0xbd: {  	[sflag:s0] =	ssyncadd.remote.s32 $0x1  }
0xbe: {  	_ =	sfence.sel $0xFFFF  }
0xbf: {  	[dreg:$0x0] =	wrdreg $0xFFFFFFFF;
	(pc) =	sbr.abs _section_cstart, $3  }
0xc0: {  	[dreg:$0x1] =	wrdreg $0xFFFFFFFF  }
0xc1: {  	_ =	task.clear_ibuf [dreg:s7], $0x2FFFF;
	_ =	strace $0x9FFFFFFF  }
0xc2: {  	(tm) =	ssettm $0x7FFFFFFF  }
0xc3: {  	_ =	shalt  }
tec
execute0_lowered:
.L_overlay_start_1:
0x0: {  	(tag) =	ssettag $0x1  }
0x1: {  	s5 =	rddreg [dreg:$0x0]  }
0x2: {  	s2 =	rddreg [dreg:$0x1]  }
0x3: {  	s0 =	rddreg [dreg:$0x2]  }
0x4: {  	s4 =	srdreg.scid;
	s1 =	stileid.u32;
	s3 =	simm.s32 $0x0  }
0x5: {  	s10 =	simm.s32 $0x200;
	s11 =	simm.s32 $0x4200;
	s12 =	simm.s32 $0x100  }
0x6: {  	s13 =	simm.s32 $0x8200;
	s14 =	simm.s32 $0x180;
	s15 =	simm.s32 $0xC200  }
0x7: {  	s16 =	simm.s32 $0x1;
	s4 =	sand.u32 $0x1, s4;
	s6 =	smul.u32 $0x280000, s1  }
0x8: {  	s17 =	simm.s32 $0x0;
	[smem:$0x7FF] =	sst s3;
	s7 =	smul.u32 $0x140000, s4  }
0x9: {  	s9 =	smul.u32 $0x5000, s1;
	_ =	strace $0x80000047;
	s8 =	ssub.s32 $0x2, s4  }
0xa: {  	s31 =	smul.u32 $0x2800, s4;
	s30 =	sshrl.u32 s8, $0x1;
	s6 =	sadd.s32 s7, s6  }
0xb: {  	s4 =	sadd.s32 $0xC3E00, s5;
	s7 =	ssub.s32 s8, s30;
	s6 =	sshrl.u32 s6, $0x3  }
0xc: {  	s8 =	simm.s32 $0x2;
	s6 =	sadd.s32 s6, s5;
	s5 =	smax.u32 s7, $0x1  }
0xd: {  	s7 =	sadd.s32 s31, s9;
	s9 =	simm.s32 $0x80;
	s6 =	sadd.s32 $0x103E00, s6  }
.LBB2_1:
0xe: {  	s18 =	sadd.s32 $0x0, s7  }
0xf: {  	s19 =	sand.u32 $0x200, s3;
	s18 =	sand.u32 $0xFFC00, s18  }
0x10: {  	s18 =	sor.u32 s19, s18  }
0x11: {  	s18 =	sshrl.u32 s18, $0x3  }
0x12: {  	s18 =	sadd.s32 s2, s18  }
0x13: {  	[tilespmem:s3], [sflag:$0x2] =	stream.linear.gather [hbm4b:s18+s3], $0x200, $0x38;
	[tilespmem:$0x10200] =	vst v63  }
0x14: {  	_ =	swait.ge [sflag:s8], $0x200  }
0x15: {  	[sflag:s8] =	ssyncset.done $0x0  }
0x16: {  	[sflag:s8] =	ssyncadd.s32 $0xFFFFFE00  }
0x17: {  	[tilespmem:s10], [sflag:$0x1] =	stream.indirect.gather [hbm4b:s4+s9], $0x80, s3, s9, $0xb8;
	[tilespmem:$0x10200] =	vst v63  }
0x18: {  	_ = 	snop  }
0x19: {  	[tilespmem:s11], [sflag:$0x1] =	stream.indirect.gather [hbm4b:s4+s9], $0x80, s9, s9, $0xb8;
	[tilespmem:$0x10200] =	vst v63  }
0x1a: {  	_ = 	snop  }
0x1b: {  	[tilespmem:s13], [sflag:$0x1] =	stream.indirect.gather [hbm4b:s4+s9], $0x80, s12, s9, $0xb8;
	[tilespmem:$0x10200] =	vst v63  }
0x1c: {  	_ = 	snop  }
0x1d: {  	[tilespmem:s15], [sflag:$0x1] =	stream.indirect.gather [hbm4b:s4+s9], $0x80, s14, s9, $0xb8;
	[tilespmem:$0x10200] =	vst v63  }
0x1e: {  	_ =	swait.ge [sflag:s16], $0x4000  }
0x1f: {  	[sflag:s16] =	ssyncset.done $0x0  }
0x20: {  	[sflag:s16] =	ssyncadd.s32 $0xFFFFC000  }
0x21: {  	_ =	swait.ge [sflag:s16], $0x4000  }
0x22: {  	[sflag:s16] =	ssyncset.done $0x0  }
0x23: {  	[sflag:s16] =	ssyncadd.s32 $0xFFFFC000  }
0x24: {  	_ =	swait.ge [sflag:s16], $0x4000  }
0x25: {  	s31 =	sadd.s32 $0x200, s7;
	[sflag:s16] =	ssyncset.done $0x0  }
0x26: {  	s30 =	simm.s32 $0x200;
	s20 =	sand.u32 $0xFFC00, s31;
	[sflag:s16] =	ssyncadd.s32 $0xFFFFC000  }
0x27: {  	s19 =	simm.s32 $0x400;
	s18 =	sand.u32 $0x200, s30;
	_ =	swait.ge [sflag:s16], $0x4000  }
0x28: {  	s18 =	sor.u32 s18, s20;
	s20 =	smov.u32 s6;
	[sflag:s16] =	ssyncset.done $0x0  }
0x29: {  	s21 =	sshrl.u32 s18, $0x3;
	s18 =	sadd.s32 $0x2000, s6;
	[sflag:s16] =	ssyncadd.s32 $0xFFFFC000  }
.LBB2_2:
0x2a: {  	[hbm4b:s20+s3] =	stream.linear.scatter [tilespmem:s10], [sflag:$0x2], $0x10000, $0x38;
	[tilespmem:$0x10200] =	vst v63  }
0x2b: {  	s22 =	smov.u32 s19;
	s20 =	smov.u32 s18  }
0x2c: {  	p0 =	sne.s32 s19, $0x2600;
	s19 =	sadd.s32 $0x200, s19;
	_ =	swait.ge [sflag:s8], $0x10000  }
0x2d: {  	[sflag:s8] =	ssyncset.done $0x0  }
0x2e: {  	s21 =	sadd.s32 s2, s21;
	[sflag:s8] =	ssyncadd.s32 $0xFFFF0000  }
0x2f: {  	[tilespmem:s3], [sflag:$0x2] =	stream.linear.gather [hbm4b:s21+s3], $0x200, $0x38;
	[tilespmem:$0x10200] =	vst v63  }
0x30: {  	_ =	swait.ge [sflag:s8], $0x200  }
0x31: {  	[sflag:s8] =	ssyncset.done $0x0  }
0x32: {  	[sflag:s8] =	ssyncadd.s32 $0xFFFFFE00  }
0x33: {  	[tilespmem:s10], [sflag:$0x1] =	stream.indirect.gather [hbm4b:s4+s9], $0x80, s3, s9, $0xb8;
	[tilespmem:$0x10200] =	vst v63  }
0x34: {  	_ = 	snop  }
0x35: {  	[tilespmem:s11], [sflag:$0x1] =	stream.indirect.gather [hbm4b:s4+s9], $0x80, s9, s9, $0xb8;
	[tilespmem:$0x10200] =	vst v63  }
0x36: {  	_ = 	snop  }
0x37: {  	[tilespmem:s13], [sflag:$0x1] =	stream.indirect.gather [hbm4b:s4+s9], $0x80, s12, s9, $0xb8;
	[tilespmem:$0x10200] =	vst v63  }
0x38: {  	_ = 	snop  }
0x39: {  	[tilespmem:s15], [sflag:$0x1] =	stream.indirect.gather [hbm4b:s4+s9], $0x80, s14, s9, $0xb8;
	[tilespmem:$0x10200] =	vst v63  }
0x3a: {  	_ =	swait.ge [sflag:s16], $0x4000  }
0x3b: {  	[sflag:s16] =	ssyncset.done $0x0  }
0x3c: {  	[sflag:s16] =	ssyncadd.s32 $0xFFFFC000  }
0x3d: {  	_ =	swait.ge [sflag:s16], $0x4000  }
0x3e: {  	[sflag:s16] =	ssyncset.done $0x0  }
0x3f: {  	[sflag:s16] =	ssyncadd.s32 $0xFFFFC000  }
0x40: {  	_ =	swait.ge [sflag:s16], $0x4000  }
.Ltmp0:
0x41: {  	[sflag:s16] =	ssyncset.done $0x0;
	(pc) =	sbr.rel @p0 .LBB2_2-.Ltmp0, $4  }
0x42: {  	s21 =	sadd.s32 s22, s7;
	[sflag:s16] =	ssyncadd.s32 $0xFFFFC000  }
0x43: {  	s22 =	sand.u32 $0x200, s22;
	s21 =	sand.u32 $0xFFC00, s21;
	_ =	swait.ge [sflag:s16], $0x4000  }
0x44: {  	s21 =	sor.u32 s22, s21;
	[sflag:s16] =	ssyncset.done $0x0  }
0x45: {  	s18 =	sadd.s32 $0x2000, s18;
	s21 =	sshrl.u32 s21, $0x3;
	[sflag:s16] =	ssyncadd.s32 $0xFFFFC000  }
0x46: {  	[hbm4b:s20+s3] =	stream.linear.scatter [tilespmem:s10], [sflag:$0x2], $0x10000, $0x38;
	[tilespmem:$0x10200] =	vst v63  }
0x47: {  	_ =	swait.ge [sflag:s8], $0x10000  }
0x48: {  	[sflag:s8] =	ssyncset.done $0x0  }
0x49: {  	s19 =	sadd.s32 s2, s21;
	[sflag:s8] =	ssyncadd.s32 $0xFFFF0000  }
0x4a: {  	[tilespmem:s3], [sflag:$0x2] =	stream.linear.gather [hbm4b:s19+s3], $0x200, $0x38;
	[tilespmem:$0x10200] =	vst v63  }
0x4b: {  	_ =	swait.ge [sflag:s8], $0x200  }
0x4c: {  	[sflag:s8] =	ssyncset.done $0x0  }
0x4d: {  	[sflag:s8] =	ssyncadd.s32 $0xFFFFFE00  }
0x4e: {  	[tilespmem:s10], [sflag:$0x1] =	stream.indirect.gather [hbm4b:s4+s9], $0x80, s3, s9, $0xb8;
	[tilespmem:$0x10200] =	vst v63  }
0x4f: {  	_ = 	snop  }
0x50: {  	[tilespmem:s11], [sflag:$0x1] =	stream.indirect.gather [hbm4b:s4+s9], $0x80, s9, s9, $0xb8;
	[tilespmem:$0x10200] =	vst v63  }
0x51: {  	_ = 	snop  }
0x52: {  	[tilespmem:s13], [sflag:$0x1] =	stream.indirect.gather [hbm4b:s4+s9], $0x80, s12, s9, $0xb8;
	[tilespmem:$0x10200] =	vst v63  }
0x53: {  	_ = 	snop  }
0x54: {  	[tilespmem:s15], [sflag:$0x1] =	stream.indirect.gather [hbm4b:s4+s9], $0x80, s14, s9, $0xb8;
	[tilespmem:$0x10200] =	vst v63  }
0x55: {  	_ =	swait.ge [sflag:s16], $0x4000  }
0x56: {  	[sflag:s16] =	ssyncset.done $0x0  }
0x57: {  	[sflag:s16] =	ssyncadd.s32 $0xFFFFC000  }
0x58: {  	_ =	swait.ge [sflag:s16], $0x4000  }
0x59: {  	[sflag:s16] =	ssyncset.done $0x0  }
0x5a: {  	[sflag:s16] =	ssyncadd.s32 $0xFFFFC000  }
0x5b: {  	_ =	swait.ge [sflag:s16], $0x4000  }
0x5c: {  	[sflag:s16] =	ssyncset.done $0x0  }
0x5d: {  	[sflag:s16] =	ssyncadd.s32 $0xFFFFC000  }
0x5e: {  	s17 =	sadd.s32 $0x1, s17;
	_ =	swait.ge [sflag:s16], $0x4000  }
0x5f: {  	p0 =	sne.s32 s17, s5;
	[sflag:s16] =	ssyncset.done $0x0  }
.Ltmp1:
0x60: {  	[sflag:s16] =	ssyncadd.s32 $0xFFFFC000;
	(pc) =	sbr.rel @p0 .LBB2_1-.Ltmp1, $4  }
0x61: {  	[hbm4b:s18+s3] =	stream.linear.scatter [tilespmem:s10], [sflag:$0x2], $0x10000, $0x38;
	[tilespmem:$0x10200] =	vst v63  }
0x62: {  	_ =	swait.ge [sflag:s8], $0x10000  }
0x63: {  	[sflag:s8] =	ssyncset.done $0x0  }
0x64: {  	[sflag:s8] =	ssyncadd.s32 $0xFFFF0000  }
0x65: {  	_ =	sfence.sel $0x180000  }
0x66: {  	[bflag:$0x0] =	sbarrier.arrive $0xFFFF  }
0x67: {  	p0 =	sne.s32 s1, $0x0;
	_ =	strace $0x90000047  }
0x68: {  	s0 =	sadd.s32 @!p0 $0x100000, s0;
	[bflag:$0x2] =	sbarrier.arrive $0xFFFF  }
0x69: {  	[sflag:s0] =	ssyncadd.tile.s32 @!p0 $0x1;
	_ =	shalt  }
.Lfunc_end2:
_tile_overlayer_lowered:
.L_overlay_start_2:
0x6a: {  	(tag) =	ssettag $0x2  }
0x6b: {  	s0 =	rddreg [dreg:$0x0];
	s2 =	stileid.u32  }
0x6c: {  	s1 =	rddreg [dreg:$0x1];
	p0 =	sne.s32 s2, $0x0  }
0x6d: {  	s3 =	rddreg [dreg:$0x2];
	[bflag:$0x3] =	sbarrier.arrive $0xFFFF;
	s2 =	simm.s32 @!p0 $0x1C02  }
0x6e: {  	[timem:s3], [sflag:s2] =	dma.local @!p0 [hbm:s0], s1  }
0x6f: {  	s0 =	simm.s32 @!p0 $0x2  }
0x70: {  	_ =	swait.ge @!p0 [sflag:s0], s1  }
0x71: {  	s1 =	ssub.s32 @!p0 $0x0, s1;
	[sflag:s0] =	ssyncset.done @!p0 $0x0  }
0x72: {  	[sflag:s0] =	ssyncadd.s32 @!p0 s1  }
0x73: {  	[bflag:$0x3] =	sbarrier.arrive $0xFFFF  }
0x74: {  	_ =	shalt  }

</sc_bundles>
